<compile_context>
chip_gen: v7x
topology: tpu7x:2x2x1
jax: 0.10.2.dev20260603
libtpu: 0.0.44.dev20260713+nightly
codegen_flags: <defaults>
</compile_context>

<pallas_src>
import functools

import jax
import jax.numpy as jnp
from jax import lax
from jax.experimental import pallas as pl
from jax.experimental.pallas import tpu as pltpu
from jax.experimental.pallas import tpu_sc as plsc

_NC = 2
_NS = 16
_NW = _NC * _NS
_L = 16



def _mlp_body(x_ref, w1_ref, b1_ref, w2_ref, b2_ref, y_ref):
    x = x_ref[...]
    ht = lax.dot_general(
        w1_ref[...], x,
        ((( 0,), (1,)), ((), ())),
        preferred_element_type=jnp.float32)
    ht = ht + b1_ref[...]
    ht = ht * jax.nn.sigmoid(ht)
    y = lax.dot_general(
        w2_ref[...], ht,
        (((0,), (0,)), ((), ())),
        preferred_element_type=jnp.float32)
    y_ref[...] = y.reshape(-1) + b2_ref[0, 0]


def _mlp(x, w1, b1, w2, b2, blk, base, size):
    n, d = x.shape
    h = w1.shape[1]
    grid = pl.cdiv(size, blk)
    base_blocks = base // blk
    return pl.pallas_call(
        _mlp_body,
        grid=(grid,),
        in_specs=[
            pl.BlockSpec((blk, d), lambda i: (i + base_blocks, 0)),
            pl.BlockSpec((d, h), lambda i: (0, 0)),
            pl.BlockSpec((h, 1), lambda i: (0, 0)),
            pl.BlockSpec((h, 1), lambda i: (0, 0)),
            pl.BlockSpec((1, 1), lambda i: (0, 0)),
        ],
        out_specs=pl.BlockSpec((blk,), lambda i: (i,)),
        out_shape=jax.ShapeDtypeStruct((size,), jnp.float32),
        compiler_params=pltpu.CompilerParams(
            dimension_semantics=("parallel",)),
    )(x, w1, b1.reshape(h, 1), w2.reshape(h, 1), b2.reshape(1, 1))



def _dgather(x, i):
    return lax.gather(
        x, i[:, None],
        lax.GatherDimensionNumbers(
            offset_dims=(), collapsed_slice_dims=(0,), start_index_map=(0,)),
        (1,),
        mode=lax.GatherScatterMode.PROMISE_IN_BOUNDS)


def _make_seg_kernel(base, size, m):
    chunk = size // _NW
    mesh = plsc.VectorSubcoreMesh(
        core_axis_name="c", subcore_axis_name="s",
        num_cores=_NC, num_subcores=_NS)

    @functools.partial(
        pl.kernel,
        mesh=mesh,
        out_type=jax.ShapeDtypeStruct((_NW, m), jnp.float32),
        scratch_types=[
            pltpu.VMEM((chunk,), jnp.int32),
            pltpu.VMEM((chunk,), jnp.float32),
            pltpu.VMEM((m,), jnp.float32),
        ],
        compiler_params=pltpu.CompilerParams(needs_layout_passes=False),
    )
    def seg(y_hbm, idx_hbm, part_hbm, idx_v, y_v, acc_v):
        wid = lax.axis_index("s") * _NC + lax.axis_index("c")
        off = wid * chunk
        pltpu.sync_copy(idx_hbm.at[pl.ds(base + off, chunk)], idx_v)
        pltpu.sync_copy(y_hbm.at[pl.ds(off, chunk)], y_v)

        zeros = jnp.zeros((_L,), jnp.float32)

        def zero_body(i, carry):
            acc_v[pl.ds(i * _L, _L)] = zeros
            return carry

        lax.fori_loop(0, m // _L, zero_body, 0, unroll=4)

        lane = lax.iota(jnp.int32, _L)

        def body(i, carry):
            iv = idx_v[pl.ds(i * _L, _L)]
            yv = y_v[pl.ds(i * _L, _L)]
            prev = _dgather(iv, jnp.maximum(lane - 1, 0))
            nxt = _dgather(iv, jnp.minimum(lane + 1, _L - 1))
            m_start = (lane == 0) | (iv != prev)
            m_end = (lane == _L - 1) | (iv != nxt)
            cs = plsc.cumsum(yv)
            startpos = plsc.cummax(jnp.where(m_start, lane, 0))
            subv = _dgather(cs, jnp.maximum(startpos - 1, 0))
            subv = jnp.where(startpos == 0, jnp.zeros_like(subv), subv)
            seg_sums = cs - subv
            plsc.addupdate_scatter(acc_v, [iv], seg_sums, mask=m_end)
            return carry

        lax.fori_loop(0, chunk // _L, body, 0, unroll=4)
        pltpu.sync_copy(acc_v, part_hbm.at[wid])

    return seg



def _combine_body(*refs):
    na_ref, out_ref = refs[-2], refs[-1]
    total = jnp.sum(refs[0][...], axis=0, keepdims=True)
    for r in refs[1:-2]:
        total = total + jnp.sum(r[...], axis=0, keepdims=True)
    out_ref[...] = total / na_ref[...]


def _combine(partials, n_atoms_f, m):
    return pl.pallas_call(
        _combine_body,
        out_shape=jax.ShapeDtypeStruct((1, m), jnp.float32),
    )(*partials, n_atoms_f.reshape(1, m))



def kernel(scalar_representation, idx_m, n_atoms, W1, b1, W2, b2):
    n, d = scalar_representation.shape
    m = n_atoms.shape[0]
    blk = 8192
    parts = [(0, 163840), (163840, n - 163840)]
    partials = []
    for base, size in parts:
        y_p = _mlp(scalar_representation, W1, b1, W2, b2, blk, base, size)
        partials.append(_make_seg_kernel(base, size, m)(y_p, idx_m))
    out = _combine(partials, n_atoms.astype(jnp.float32), m)
    return out.reshape(m)

# --- scband reference (transcript-rebuilt; emitter-appended) ---
"""Pipeline reference for scband-sch-net-output-18726057411349 (READ-ONLY COPY).

The authoritative reference and input builder live on the scoring server;
editing this copy changes nothing except your own understanding.
"""

import jax, jax.numpy as jnp
import numpy as np

N = 320000
D = 128
H = 64
M = 1024

def setup_inputs(seed: int = 0) -> dict:
    key = jax.random.key(seed)
    k1, k2, k3, k4 = jax.random.split(key, 4)
    scalar_representation = jax.random.normal(k1, (N, D), dtype=jnp.float32)
    idx_m = jnp.sort(jax.random.randint(k2, (N,), 0, M, dtype=jnp.int32))
    idx_m = idx_m.at[-1].set(M - 1)  # ensure maxm == M as in torch: int(idx_m[-1]) + 1
    n_atoms = jnp.maximum(jnp.bincount(idx_m, length=M), 1).astype(jnp.int32)
    W1 = jax.random.normal(k3, (D, H), dtype=jnp.float32) * 0.05
    b1 = jnp.zeros((H,), dtype=jnp.float32)
    W2 = jax.random.normal(k4, (H, 1), dtype=jnp.float32) * 0.05
    b2 = jnp.zeros((1,), dtype=jnp.float32)
    return {"scalar_representation": scalar_representation, "idx_m": idx_m,
            "n_atoms": n_atoms, "W1": W1, "b1": b1, "W2": W2, "b2": b2}

def reference(scalar_representation, idx_m, n_atoms, W1, b1, W2, b2):
    # outnet[:-1]: Dense(128->64) + SiLU activation (pyramidal MLP, n_layers=2)
    h = jax.nn.silu(scalar_representation @ W1 + b1)
    # dropout is identity at inference
    # outnet[-1]: Dense(64->1)
    y = h @ W2 + b2  # [N, 1]
    # scatter_add over molecule index (segment sum), dim_size = maxm = M
    agg = jax.ops.segment_sum(y, idx_m, num_segments=M)  # [M, 1]
    # aggregation_mode == 'avg': divide by per-molecule atom counts
    agg = agg / n_atoms[:, None].astype(agg.dtype)
    # torch.squeeze(y) for n_out == 1 -> [M]
    return jnp.squeeze(agg, -1)

if __name__ == "__main__":
    import jax
    _d = setup_inputs()
    print(jax.jit(kernel)(*tuple(_d.values())))

</pallas_src>

<mosaic_0001>
#map = affine_map<(d0, d1) -> (0)>
#map1 = affine_map<(d0, d1) -> (0, 0)>
module attributes {stable_mosaic.version = 14 : i64} {
  func.func @seg(%arg0: i32, %arg1: i32, %arg2: memref<156160xf32, #tpu.memory_space<hbm>>, %arg3: memref<320000xi32, #tpu.memory_space<hbm>>, %arg4: memref<32x1024xf32, #tpu.memory_space<hbm>>, %arg5: memref<4880xi32, #tpu.memory_space<vmem>>, %arg6: memref<4880xf32, #tpu.memory_space<vmem>>, %arg7: memref<1024xf32, #tpu.memory_space<vmem>>) attributes {dimension_semantics = [#tpu.dimension_semantics<core_parallel>, #tpu.dimension_semantics<subcore_parallel>], iteration_bounds = array<i64: 2, 16>, scalar_prefetch = 0 : i64, scratch_operands = 3 : i64, tpu.core_type = #tpu.core_type<sc_vector_subcore>, window_params = [{transform_indices = #map}, {transform_indices = #map}, {transform_indices = #map1}]} {
    %mul3A = arith.constant 2 : i32
    %mul3A_0 = arith.muli %arg1, %mul3A : i32
    %add3A = arith.addi %mul3A_0, %arg0 : i32
    %mul3A_1 = arith.constant 4880 : i32
    %mul3A_2 = arith.muli %add3A, %mul3A_1 : i32
    %add3A_3 = arith.constant 163840 : i32
    %add3A_4 = arith.addi %add3A_3, %mul3A_2 : i32
    "tpu.region"() ({
      %run_scoped3A = tpu.sem_alloc : memref<!tpu.dma_semaphore, #tpu.memory_space<semaphore_mem>>
      %dma_start3A = tpu.memref_slice %arg3[%add3A_4] : memref<320000xi32, #tpu.memory_space<hbm>> -> memref<4880xi32, #tpu.memory_space<hbm>>
      %dma_start3A_72 = tpu.memref_slice %arg3[%add3A_4] : memref<320000xi32, #tpu.memory_space<hbm>> -> memref<4880xi32, #tpu.memory_space<hbm>>
      tpu.enqueue_dma source(%dma_start3A_72 : memref<4880xi32, #tpu.memory_space<hbm>>) target(%arg5 : memref<4880xi32, #tpu.memory_space<vmem>>) target_semaphore(%run_scoped3A : memref<!tpu.dma_semaphore, #tpu.memory_space<semaphore_mem>>)
      %dma_wait3A = tpu.memref_slice %arg3[%add3A_4] : memref<320000xi32, #tpu.memory_space<hbm>> -> memref<4880xi32, #tpu.memory_space<hbm>>
      %dma_wait3A_73 = tpu.memref_slice %arg3[%add3A_4] : memref<320000xi32, #tpu.memory_space<hbm>> -> memref<4880xi32, #tpu.memory_space<hbm>>
      tpu.wait_dma2 semaphore(%run_scoped3A : memref<!tpu.dma_semaphore, #tpu.memory_space<semaphore_mem>>) src(%dma_wait3A_73 : memref<4880xi32, #tpu.memory_space<hbm>>) dst(%arg5 : memref<4880xi32, #tpu.memory_space<vmem>>)
      tpu.yield
    }) : () -> ()
    "tpu.region"() ({
      %run_scoped3A = tpu.sem_alloc : memref<!tpu.dma_semaphore, #tpu.memory_space<semaphore_mem>>
      %dma_start3A = tpu.memref_slice %arg2[%mul3A_2] : memref<156160xf32, #tpu.memory_space<hbm>> -> memref<4880xf32, #tpu.memory_space<hbm>>
      %dma_start3A_72 = tpu.memref_slice %arg2[%mul3A_2] : memref<156160xf32, #tpu.memory_space<hbm>> -> memref<4880xf32, #tpu.memory_space<hbm>>
      tpu.enqueue_dma source(%dma_start3A_72 : memref<4880xf32, #tpu.memory_space<hbm>>) target(%arg6 : memref<4880xf32, #tpu.memory_space<vmem>>) target_semaphore(%run_scoped3A : memref<!tpu.dma_semaphore, #tpu.memory_space<semaphore_mem>>)
      %dma_wait3A = tpu.memref_slice %arg2[%mul3A_2] : memref<156160xf32, #tpu.memory_space<hbm>> -> memref<4880xf32, #tpu.memory_space<hbm>>
      %dma_wait3A_73 = tpu.memref_slice %arg2[%mul3A_2] : memref<156160xf32, #tpu.memory_space<hbm>> -> memref<4880xf32, #tpu.memory_space<hbm>>
      tpu.wait_dma2 semaphore(%run_scoped3A : memref<!tpu.dma_semaphore, #tpu.memory_space<semaphore_mem>>) src(%dma_wait3A_73 : memref<4880xf32, #tpu.memory_space<hbm>>) dst(%arg6 : memref<4880xf32, #tpu.memory_space<vmem>>)
      tpu.yield
    }) : () -> ()
    %broadcast_in_dim3A = arith.constant 0.000000e+00 : f32
    %broadcast_in_dim3A_5 = vector.broadcast %broadcast_in_dim3A : f32 to vector<16xf32>
    %scan3A = arith.constant 0 : i32
    %scan3A_6 = arith.constant 0 : i32
    %scan3A_7 = arith.constant 64 : i32
    %scan3A_8 = arith.addi %scan3A_6, %scan3A_7 : i32
    %scan3A_9 = arith.constant 4 : i32
    scf.for %scan3A_72 = %scan3A_6 to %scan3A_8 step %scan3A_9  : i32 {
      %mul3A_73 = arith.constant 16 : i32
      %mul3A_74 = arith.muli %scan3A_72, %mul3A_73 : i32
      %swap3A = arith.index_cast %mul3A_74 : i32 to index
      %swap3A_75 = tpu.vector_load %arg7[%swap3A] {strides = array<i32>} : memref<1024xf32, #tpu.memory_space<vmem>>, vector<16xf32>,
      tpu.vector_store %arg7[%swap3A], %broadcast_in_dim3A_5 {strides = array<i32>} : memref<1024xf32, #tpu.memory_space<vmem>>, vector<16xf32>,
      %scan3A_76 = arith.constant 1 : i32
      %scan3A_77 = arith.addi %scan3A_72, %scan3A_76 : i32
      %mul3A_78 = arith.constant 16 : i32
      %mul3A_79 = arith.muli %scan3A_77, %mul3A_78 : i32
      %swap3A_80 = arith.index_cast %mul3A_79 : i32 to index
      %swap3A_81 = tpu.vector_load %arg7[%swap3A_80] {strides = array<i32>} : memref<1024xf32, #tpu.memory_space<vmem>>, vector<16xf32>,
      tpu.vector_store %arg7[%swap3A_80], %broadcast_in_dim3A_5 {strides = array<i32>} : memref<1024xf32, #tpu.memory_space<vmem>>, vector<16xf32>,
      %scan3A_82 = arith.constant 2 : i32
      %scan3A_83 = arith.addi %scan3A_72, %scan3A_82 : i32
      %mul3A_84 = arith.constant 16 : i32
      %mul3A_85 = arith.muli %scan3A_83, %mul3A_84 : i32
      %swap3A_86 = arith.index_cast %mul3A_85 : i32 to index
      %swap3A_87 = tpu.vector_load %arg7[%swap3A_86] {strides = array<i32>} : memref<1024xf32, #tpu.memory_space<vmem>>, vector<16xf32>,
      tpu.vector_store %arg7[%swap3A_86], %broadcast_in_dim3A_5 {strides = array<i32>} : memref<1024xf32, #tpu.memory_space<vmem>>, vector<16xf32>,
      %scan3A_88 = arith.constant 3 : i32
      %scan3A_89 = arith.addi %scan3A_72, %scan3A_88 : i32
      %mul3A_90 = arith.constant 16 : i32
      %mul3A_91 = arith.muli %scan3A_89, %mul3A_90 : i32
      %swap3A_92 = arith.index_cast %mul3A_91 : i32 to index
      %swap3A_93 = tpu.vector_load %arg7[%swap3A_92] {strides = array<i32>} : memref<1024xf32, #tpu.memory_space<vmem>>, vector<16xf32>,
      tpu.vector_store %arg7[%swap3A_92], %broadcast_in_dim3A_5 {strides = array<i32>} : memref<1024xf32, #tpu.memory_space<vmem>>, vector<16xf32>,
    }
    %scan3A_10 = arith.constant 64 : i32
    %iota3A = tpu.iota {dimensions = array<i32: 0>} : vector<16xi32>
    %scan3A_11 = arith.constant 0 : i32
    %scan3A_12 = arith.constant 0 : i32
    %scan3A_13 = arith.constant 304 : i32
    %scan3A_14 = arith.addi %scan3A_12, %scan3A_13 : i32
    %scan3A_15 = arith.constant 4 : i32
    scf.for %scan3A_72 = %scan3A_12 to %scan3A_14 step %scan3A_15  : i32 {
      %mul3A_73 = arith.constant 16 : i32
      %mul3A_74 = arith.muli %scan3A_72, %mul3A_73 : i32
      %get3A_75 = arith.index_cast %mul3A_74 : i32 to index
      %get3A_76 = tpu.vector_load %arg5[%get3A_75] {strides = array<i32>} : memref<4880xi32, #tpu.memory_space<vmem>>, vector<16xi32>,
      %mul3A_77 = arith.constant 16 : i32
      %mul3A_78 = arith.muli %scan3A_72, %mul3A_77 : i32
      %get3A_79 = arith.index_cast %mul3A_78 : i32 to index
      %get3A_80 = tpu.vector_load %arg6[%get3A_79] {strides = array<i32>} : memref<4880xf32, #tpu.memory_space<vmem>>, vector<16xf32>,
      %sub3A_81 = arith.constant 1 : i32
      %sub3A_82 = vector.broadcast %sub3A_81 : i32 to vector<16xi32>
      %sub3A_83 = arith.subi %iota3A, %sub3A_82 : vector<16xi32>
      %max3A_84 = arith.constant 0 : i32
      %max3A_85 = vector.broadcast %max3A_84 : i32 to vector<16xi32>
      %max3A_86 = arith.maxsi %sub3A_83, %max3A_85 : vector<16xi32>
      %broadcast_in_dim3A_87 = vector.shape_cast %max3A_86 : vector<16xi32> to vector<16x1xi32>
      %gather3A_88 = vector.shape_cast %broadcast_in_dim3A_87 : vector<16x1xi32> to vector<16xi32>
      %gather3A_89 = tpu.dynamic_gather %get3A_76[%gather3A_88] in [0] : vector<16xi32>, vector<16xi32> -> vector<16xi32>
      %add3A_90 = arith.constant 1 : i32
      %add3A_91 = vector.broadcast %add3A_90 : i32 to vector<16xi32>
      %add3A_92 = arith.addi %iota3A, %add3A_91 : vector<16xi32>
      %min3A_93 = arith.constant 15 : i32
      %min3A_94 = vector.broadcast %min3A_93 : i32 to vector<16xi32>
      %min3A_95 = arith.minsi %add3A_92, %min3A_94 : vector<16xi32>
      %broadcast_in_dim3A_96 = vector.shape_cast %min3A_95 : vector<16xi32> to vector<16x1xi32>
      %gather3A_97 = vector.shape_cast %broadcast_in_dim3A_96 : vector<16x1xi32> to vector<16xi32>
      %gather3A_98 = tpu.dynamic_gather %get3A_76[%gather3A_97] in [0] : vector<16xi32>, vector<16xi32> -> vector<16xi32>
      %eq3A_99 = arith.constant 0 : i32
      %eq3A_100 = vector.broadcast %eq3A_99 : i32 to vector<16xi32>
      %eq3A_101 = arith.cmpi eq, %iota3A, %eq3A_100 : vector<16xi32>
      %ne3A_102 = arith.cmpi ne, %get3A_76, %gather3A_89 : vector<16xi32>
      %or3A_103 = arith.ori %eq3A_101, %ne3A_102 : vector<16xi1>
      %eq3A_104 = arith.constant 15 : i32
      %eq3A_105 = vector.broadcast %eq3A_104 : i32 to vector<16xi32>
      %eq3A_106 = arith.cmpi eq, %iota3A, %eq3A_105 : vector<16xi32>
      %ne3A_107 = arith.cmpi ne, %get3A_76, %gather3A_98 : vector<16xi32>
      %or3A_108 = arith.ori %eq3A_106, %ne3A_107 : vector<16xi1>
      %broadcast_in_dim3A_109 = arith.constant true
      %broadcast_in_dim3A_110 = vector.broadcast %broadcast_in_dim3A_109 : i1 to vector<16xi1>
      %masked_cumsum3A_111 = tpu.scan <sum>, %get3A_80 masked %broadcast_in_dim3A_110 : vector<16xf32>, vector<16xi1> -> vector<16xf32>
      %jit3A_112 = arith.constant 0 : i32
      %broadcast_in_dim3A_113 = vector.broadcast %jit3A_112 : i32 to vector<16xi32>
      %select_n3A_114 = arith.select %or3A_103, %iota3A, %broadcast_in_dim3A_113 : vector<16xi1>, vector<16xi32>
      %broadcast_in_dim3A_115 = arith.constant true
      %broadcast_in_dim3A_116 = vector.broadcast %broadcast_in_dim3A_115 : i1 to vector<16xi1>
      %masked_cummax3A_117 = arith.constant -2147483648 : i32
      %masked_cummax3A_118 = vector.broadcast %masked_cummax3A_117 : i32 to vector<16xi32>
      %masked_cummax3A_119 = arith.xori %select_n3A_114, %masked_cummax3A_118 : vector<16xi32>
      %masked_cummax3A_120 = tpu.scan <max>, %masked_cummax3A_119 masked %broadcast_in_dim3A_116 : vector<16xi32>, vector<16xi1> -> vector<16xi32>
      %masked_cummax3A_121 = arith.xori %masked_cummax3A_120, %masked_cummax3A_118 : vector<16xi32>
      %sub3A_122 = arith.constant 1 : i32
      %sub3A_123 = vector.broadcast %sub3A_122 : i32 to vector<16xi32>
      %sub3A_124 = arith.subi %masked_cummax3A_121, %sub3A_123 : vector<16xi32>
      %max3A_125 = arith.constant 0 : i32
      %max3A_126 = vector.broadcast %max3A_125 : i32 to vector<16xi32>
      %max3A_127 = arith.maxsi %sub3A_124, %max3A_126 : vector<16xi32>
      %broadcast_in_dim3A_128 = vector.shape_cast %max3A_127 : vector<16xi32> to vector<16x1xi32>
      %gather3A_129 = vector.shape_cast %broadcast_in_dim3A_128 : vector<16x1xi32> to vector<16xi32>
      %gather3A_130 = tpu.dynamic_gather %masked_cumsum3A_111[%gather3A_129] in [0] : vector<16xf32>, vector<16xi32> -> vector<16xf32>
      %eq3A_131 = arith.constant 0 : i32
      %eq3A_132 = vector.broadcast %eq3A_131 : i32 to vector<16xi32>
      %eq3A_133 = arith.cmpi eq, %masked_cummax3A_121, %eq3A_132 : vector<16xi32>
      %broadcast_in_dim3A_134 = arith.constant 0.000000e+00 : f32
      %broadcast_in_dim3A_135 = vector.broadcast %broadcast_in_dim3A_134 : f32 to vector<16xf32>
      %select_n3A_136 = arith.select %eq3A_133, %broadcast_in_dim3A_135, %gather3A_130 : vector<16xi1>, vector<16xf32>
      %sub3A_137 = arith.subf %masked_cumsum3A_111, %select_n3A_136 : vector<16xf32>
      tpu.vector_store_idx %arg7[%get3A_76], %sub3A_137 masked %or3A_108 {add = true} : memref<1024xf32, #tpu.memory_space<vmem>>[vector<16xi32>], vector<16xf32>, vector<16xi1>
      %scan3A_138 = arith.constant 1 : i32
      %scan3A_139 = arith.addi %scan3A_72, %scan3A_138 : i32
      %mul3A_140 = arith.constant 16 : i32
      %mul3A_141 = arith.muli %scan3A_139, %mul3A_140 : i32
      %get3A_142 = arith.index_cast %mul3A_141 : i32 to index
      %get3A_143 = tpu.vector_load %arg5[%get3A_142] {strides = array<i32>} : memref<4880xi32, #tpu.memory_space<vmem>>, vector<16xi32>,
      %mul3A_144 = arith.constant 16 : i32
      %mul3A_145 = arith.muli %scan3A_139, %mul3A_144 : i32
      %get3A_146 = arith.index_cast %mul3A_145 : i32 to index
      %get3A_147 = tpu.vector_load %arg6[%get3A_146] {strides = array<i32>} : memref<4880xf32, #tpu.memory_space<vmem>>, vector<16xf32>,
      %sub3A_148 = arith.constant 1 : i32
      %sub3A_149 = vector.broadcast %sub3A_148 : i32 to vector<16xi32>
      %sub3A_150 = arith.subi %iota3A, %sub3A_149 : vector<16xi32>
      %max3A_151 = arith.constant 0 : i32
      %max3A_152 = vector.broadcast %max3A_151 : i32 to vector<16xi32>
      %max3A_153 = arith.maxsi %sub3A_150, %max3A_152 : vector<16xi32>
      %broadcast_in_dim3A_154 = vector.shape_cast %max3A_153 : vector<16xi32> to vector<16x1xi32>
      %gather3A_155 = vector.shape_cast %broadcast_in_dim3A_154 : vector<16x1xi32> to vector<16xi32>
      %gather3A_156 = tpu.dynamic_gather %get3A_143[%gather3A_155] in [0] : vector<16xi32>, vector<16xi32> -> vector<16xi32>
      %add3A_157 = arith.constant 1 : i32
      %add3A_158 = vector.broadcast %add3A_157 : i32 to vector<16xi32>
      %add3A_159 = arith.addi %iota3A, %add3A_158 : vector<16xi32>
      %min3A_160 = arith.constant 15 : i32
      %min3A_161 = vector.broadcast %min3A_160 : i32 to vector<16xi32>
      %min3A_162 = arith.minsi %add3A_159, %min3A_161 : vector<16xi32>
      %broadcast_in_dim3A_163 = vector.shape_cast %min3A_162 : vector<16xi32> to vector<16x1xi32>
      %gather3A_164 = vector.shape_cast %broadcast_in_dim3A_163 : vector<16x1xi32> to vector<16xi32>
      %gather3A_165 = tpu.dynamic_gather %get3A_143[%gather3A_164] in [0] : vector<16xi32>, vector<16xi32> -> vector<16xi32>
      %eq3A_166 = arith.constant 0 : i32
      %eq3A_167 = vector.broadcast %eq3A_166 : i32 to vector<16xi32>
      %eq3A_168 = arith.cmpi eq, %iota3A, %eq3A_167 : vector<16xi32>
      %ne3A_169 = arith.cmpi ne, %get3A_143, %gather3A_156 : vector<16xi32>
      %or3A_170 = arith.ori %eq3A_168, %ne3A_169 : vector<16xi1>
      %eq3A_171 = arith.constant 15 : i32
      %eq3A_172 = vector.broadcast %eq3A_171 : i32 to vector<16xi32>
      %eq3A_173 = arith.cmpi eq, %iota3A, %eq3A_172 : vector<16xi32>
      %ne3A_174 = arith.cmpi ne, %get3A_143, %gather3A_165 : vector<16xi32>
      %or3A_175 = arith.ori %eq3A_173, %ne3A_174 : vector<16xi1>
      %broadcast_in_dim3A_176 = arith.constant true
      %broadcast_in_dim3A_177 = vector.broadcast %broadcast_in_dim3A_176 : i1 to vector<16xi1>
      %masked_cumsum3A_178 = tpu.scan <sum>, %get3A_147 masked %broadcast_in_dim3A_177 : vector<16xf32>, vector<16xi1> -> vector<16xf32>
      %jit3A_179 = arith.constant 0 : i32
      %broadcast_in_dim3A_180 = vector.broadcast %jit3A_179 : i32 to vector<16xi32>
      %select_n3A_181 = arith.select %or3A_170, %iota3A, %broadcast_in_dim3A_180 : vector<16xi1>, vector<16xi32>
      %broadcast_in_dim3A_182 = arith.constant true
      %broadcast_in_dim3A_183 = vector.broadcast %broadcast_in_dim3A_182 : i1 to vector<16xi1>
      %masked_cummax3A_184 = arith.constant -2147483648 : i32
      %masked_cummax3A_185 = vector.broadcast %masked_cummax3A_184 : i32 to vector<16xi32>
      %masked_cummax3A_186 = arith.xori %select_n3A_181, %masked_cummax3A_185 : vector<16xi32>
      %masked_cummax3A_187 = tpu.scan <max>, %masked_cummax3A_186 masked %broadcast_in_dim3A_183 : vector<16xi32>, vector<16xi1> -> vector<16xi32>
      %masked_cummax3A_188 = arith.xori %masked_cummax3A_187, %masked_cummax3A_185 : vector<16xi32>
      %sub3A_189 = arith.constant 1 : i32
      %sub3A_190 = vector.broadcast %sub3A_189 : i32 to vector<16xi32>
      %sub3A_191 = arith.subi %masked_cummax3A_188, %sub3A_190 : vector<16xi32>
      %max3A_192 = arith.constant 0 : i32
      %max3A_193 = vector.broadcast %max3A_192 : i32 to vector<16xi32>
      %max3A_194 = arith.maxsi %sub3A_191, %max3A_193 : vector<16xi32>
      %broadcast_in_dim3A_195 = vector.shape_cast %max3A_194 : vector<16xi32> to vector<16x1xi32>
      %gather3A_196 = vector.shape_cast %broadcast_in_dim3A_195 : vector<16x1xi32> to vector<16xi32>
      %gather3A_197 = tpu.dynamic_gather %masked_cumsum3A_178[%gather3A_196] in [0] : vector<16xf32>, vector<16xi32> -> vector<16xf32>
      %eq3A_198 = arith.constant 0 : i32
      %eq3A_199 = vector.broadcast %eq3A_198 : i32 to vector<16xi32>
      %eq3A_200 = arith.cmpi eq, %masked_cummax3A_188, %eq3A_199 : vector<16xi32>
      %broadcast_in_dim3A_201 = arith.constant 0.000000e+00 : f32
      %broadcast_in_dim3A_202 = vector.broadcast %broadcast_in_dim3A_201 : f32 to vector<16xf32>
      %select_n3A_203 = arith.select %eq3A_200, %broadcast_in_dim3A_202, %gather3A_197 : vector<16xi1>, vector<16xf32>
      %sub3A_204 = arith.subf %masked_cumsum3A_178, %select_n3A_203 : vector<16xf32>
      tpu.vector_store_idx %arg7[%get3A_143], %sub3A_204 masked %or3A_175 {add = true} : memref<1024xf32, #tpu.memory_space<vmem>>[vector<16xi32>], vector<16xf32>, vector<16xi1>
      %scan3A_205 = arith.constant 2 : i32
      %scan3A_206 = arith.addi %scan3A_72, %scan3A_205 : i32
      %mul3A_207 = arith.constant 16 : i32
      %mul3A_208 = arith.muli %scan3A_206, %mul3A_207 : i32
      %get3A_209 = arith.index_cast %mul3A_208 : i32 to index
      %get3A_210 = tpu.vector_load %arg5[%get3A_209] {strides = array<i32>} : memref<4880xi32, #tpu.memory_space<vmem>>, vector<16xi32>,
      %mul3A_211 = arith.constant 16 : i32
      %mul3A_212 = arith.muli %scan3A_206, %mul3A_211 : i32
      %get3A_213 = arith.index_cast %mul3A_212 : i32 to index
      %get3A_214 = tpu.vector_load %arg6[%get3A_213] {strides = array<i32>} : memref<4880xf32, #tpu.memory_space<vmem>>, vector<16xf32>,
      %sub3A_215 = arith.constant 1 : i32
      %sub3A_216 = vector.broadcast %sub3A_215 : i32 to vector<16xi32>
      %sub3A_217 = arith.subi %iota3A, %sub3A_216 : vector<16xi32>
      %max3A_218 = arith.constant 0 : i32
      %max3A_219 = vector.broadcast %max3A_218 : i32 to vector<16xi32>
      %max3A_220 = arith.maxsi %sub3A_217, %max3A_219 : vector<16xi32>
      %broadcast_in_dim3A_221 = vector.shape_cast %max3A_220 : vector<16xi32> to vector<16x1xi32>
      %gather3A_222 = vector.shape_cast %broadcast_in_dim3A_221 : vector<16x1xi32> to vector<16xi32>
      %gather3A_223 = tpu.dynamic_gather %get3A_210[%gather3A_222] in [0] : vector<16xi32>, vector<16xi32> -> vector<16xi32>
      %add3A_224 = arith.constant 1 : i32
      %add3A_225 = vector.broadcast %add3A_224 : i32 to vector<16xi32>
      %add3A_226 = arith.addi %iota3A, %add3A_225 : vector<16xi32>
      %min3A_227 = arith.constant 15 : i32
      %min3A_228 = vector.broadcast %min3A_227 : i32 to vector<16xi32>
      %min3A_229 = arith.minsi %add3A_226, %min3A_228 : vector<16xi32>
      %broadcast_in_dim3A_230 = vector.shape_cast %min3A_229 : vector<16xi32> to vector<16x1xi32>
      %gather3A_231 = vector.shape_cast %broadcast_in_dim3A_230 : vector<16x1xi32> to vector<16xi32>
      %gather3A_232 = tpu.dynamic_gather %get3A_210[%gather3A_231] in [0] : vector<16xi32>, vector<16xi32> -> vector<16xi32>
      %eq3A_233 = arith.constant 0 : i32
      %eq3A_234 = vector.broadcast %eq3A_233 : i32 to vector<16xi32>
      %eq3A_235 = arith.cmpi eq, %iota3A, %eq3A_234 : vector<16xi32>
      %ne3A_236 = arith.cmpi ne, %get3A_210, %gather3A_223 : vector<16xi32>
      %or3A_237 = arith.ori %eq3A_235, %ne3A_236 : vector<16xi1>
      %eq3A_238 = arith.constant 15 : i32
      %eq3A_239 = vector.broadcast %eq3A_238 : i32 to vector<16xi32>
      %eq3A_240 = arith.cmpi eq, %iota3A, %eq3A_239 : vector<16xi32>
      %ne3A_241 = arith.cmpi ne, %get3A_210, %gather3A_232 : vector<16xi32>
      %or3A_242 = arith.ori %eq3A_240, %ne3A_241 : vector<16xi1>
      %broadcast_in_dim3A_243 = arith.constant true
      %broadcast_in_dim3A_244 = vector.broadcast %broadcast_in_dim3A_243 : i1 to vector<16xi1>
      %masked_cumsum3A_245 = tpu.scan <sum>, %get3A_214 masked %broadcast_in_dim3A_244 : vector<16xf32>, vector<16xi1> -> vector<16xf32>
      %jit3A_246 = arith.constant 0 : i32
      %broadcast_in_dim3A_247 = vector.broadcast %jit3A_246 : i32 to vector<16xi32>
      %select_n3A_248 = arith.select %or3A_237, %iota3A, %broadcast_in_dim3A_247 : vector<16xi1>, vector<16xi32>
      %broadcast_in_dim3A_249 = arith.constant true
      %broadcast_in_dim3A_250 = vector.broadcast %broadcast_in_dim3A_249 : i1 to vector<16xi1>
      %masked_cummax3A_251 = arith.constant -2147483648 : i32
      %masked_cummax3A_252 = vector.broadcast %masked_cummax3A_251 : i32 to vector<16xi32>
      %masked_cummax3A_253 = arith.xori %select_n3A_248, %masked_cummax3A_252 : vector<16xi32>
      %masked_cummax3A_254 = tpu.scan <max>, %masked_cummax3A_253 masked %broadcast_in_dim3A_250 : vector<16xi32>, vector<16xi1> -> vector<16xi32>
      %masked_cummax3A_255 = arith.xori %masked_cummax3A_254, %masked_cummax3A_252 : vector<16xi32>
      %sub3A_256 = arith.constant 1 : i32
      %sub3A_257 = vector.broadcast %sub3A_256 : i32 to vector<16xi32>
      %sub3A_258 = arith.subi %masked_cummax3A_255, %sub3A_257 : vector<16xi32>
      %max3A_259 = arith.constant 0 : i32
      %max3A_260 = vector.broadcast %max3A_259 : i32 to vector<16xi32>
      %max3A_261 = arith.maxsi %sub3A_258, %max3A_260 : vector<16xi32>
      %broadcast_in_dim3A_262 = vector.shape_cast %max3A_261 : vector<16xi32> to vector<16x1xi32>
      %gather3A_263 = vector.shape_cast %broadcast_in_dim3A_262 : vector<16x1xi32> to vector<16xi32>
      %gather3A_264 = tpu.dynamic_gather %masked_cumsum3A_245[%gather3A_263] in [0] : vector<16xf32>, vector<16xi32> -> vector<16xf32>
      %eq3A_265 = arith.constant 0 : i32
      %eq3A_266 = vector.broadcast %eq3A_265 : i32 to vector<16xi32>
      %eq3A_267 = arith.cmpi eq, %masked_cummax3A_255, %eq3A_266 : vector<16xi32>
      %broadcast_in_dim3A_268 = arith.constant 0.000000e+00 : f32
      %broadcast_in_dim3A_269 = vector.broadcast %broadcast_in_dim3A_268 : f32 to vector<16xf32>
      %select_n3A_270 = arith.select %eq3A_267, %broadcast_in_dim3A_269, %gather3A_264 : vector<16xi1>, vector<16xf32>
      %sub3A_271 = arith.subf %masked_cumsum3A_245, %select_n3A_270 : vector<16xf32>
      tpu.vector_store_idx %arg7[%get3A_210], %sub3A_271 masked %or3A_242 {add = true} : memref<1024xf32, #tpu.memory_space<vmem>>[vector<16xi32>], vector<16xf32>, vector<16xi1>
      %scan3A_272 = arith.constant 3 : i32
      %scan3A_273 = arith.addi %scan3A_72, %scan3A_272 : i32
      %mul3A_274 = arith.constant 16 : i32
      %mul3A_275 = arith.muli %scan3A_273, %mul3A_274 : i32
      %get3A_276 = arith.index_cast %mul3A_275 : i32 to index
      %get3A_277 = tpu.vector_load %arg5[%get3A_276] {strides = array<i32>} : memref<4880xi32, #tpu.memory_space<vmem>>, vector<16xi32>,
      %mul3A_278 = arith.constant 16 : i32
      %mul3A_279 = arith.muli %scan3A_273, %mul3A_278 : i32
      %get3A_280 = arith.index_cast %mul3A_279 : i32 to index
      %get3A_281 = tpu.vector_load %arg6[%get3A_280] {strides = array<i32>} : memref<4880xf32, #tpu.memory_space<vmem>>, vector<16xf32>,
      %sub3A_282 = arith.constant 1 : i32
      %sub3A_283 = vector.broadcast %sub3A_282 : i32 to vector<16xi32>
      %sub3A_284 = arith.subi %iota3A, %sub3A_283 : vector<16xi32>
      %max3A_285 = arith.constant 0 : i32
      %max3A_286 = vector.broadcast %max3A_285 : i32 to vector<16xi32>
      %max3A_287 = arith.maxsi %sub3A_284, %max3A_286 : vector<16xi32>
      %broadcast_in_dim3A_288 = vector.shape_cast %max3A_287 : vector<16xi32> to vector<16x1xi32>
      %gather3A_289 = vector.shape_cast %broadcast_in_dim3A_288 : vector<16x1xi32> to vector<16xi32>
      %gather3A_290 = tpu.dynamic_gather %get3A_277[%gather3A_289] in [0] : vector<16xi32>, vector<16xi32> -> vector<16xi32>
      %add3A_291 = arith.constant 1 : i32
      %add3A_292 = vector.broadcast %add3A_291 : i32 to vector<16xi32>
      %add3A_293 = arith.addi %iota3A, %add3A_292 : vector<16xi32>
      %min3A_294 = arith.constant 15 : i32
      %min3A_295 = vector.broadcast %min3A_294 : i32 to vector<16xi32>
      %min3A_296 = arith.minsi %add3A_293, %min3A_295 : vector<16xi32>
      %broadcast_in_dim3A_297 = vector.shape_cast %min3A_296 : vector<16xi32> to vector<16x1xi32>
      %gather3A_298 = vector.shape_cast %broadcast_in_dim3A_297 : vector<16x1xi32> to vector<16xi32>
      %gather3A_299 = tpu.dynamic_gather %get3A_277[%gather3A_298] in [0] : vector<16xi32>, vector<16xi32> -> vector<16xi32>
      %eq3A_300 = arith.constant 0 : i32
      %eq3A_301 = vector.broadcast %eq3A_300 : i32 to vector<16xi32>
      %eq3A_302 = arith.cmpi eq, %iota3A, %eq3A_301 : vector<16xi32>
      %ne3A_303 = arith.cmpi ne, %get3A_277, %gather3A_290 : vector<16xi32>
      %or3A_304 = arith.ori %eq3A_302, %ne3A_303 : vector<16xi1>
      %eq3A_305 = arith.constant 15 : i32
      %eq3A_306 = vector.broadcast %eq3A_305 : i32 to vector<16xi32>
      %eq3A_307 = arith.cmpi eq, %iota3A, %eq3A_306 : vector<16xi32>
      %ne3A_308 = arith.cmpi ne, %get3A_277, %gather3A_299 : vector<16xi32>
      %or3A_309 = arith.ori %eq3A_307, %ne3A_308 : vector<16xi1>
      %broadcast_in_dim3A_310 = arith.constant true
      %broadcast_in_dim3A_311 = vector.broadcast %broadcast_in_dim3A_310 : i1 to vector<16xi1>
      %masked_cumsum3A_312 = tpu.scan <sum>, %get3A_281 masked %broadcast_in_dim3A_311 : vector<16xf32>, vector<16xi1> -> vector<16xf32>
      %jit3A_313 = arith.constant 0 : i32
      %broadcast_in_dim3A_314 = vector.broadcast %jit3A_313 : i32 to vector<16xi32>
      %select_n3A_315 = arith.select %or3A_304, %iota3A, %broadcast_in_dim3A_314 : vector<16xi1>, vector<16xi32>
      %broadcast_in_dim3A_316 = arith.constant true
      %broadcast_in_dim3A_317 = vector.broadcast %broadcast_in_dim3A_316 : i1 to vector<16xi1>
      %masked_cummax3A_318 = arith.constant -2147483648 : i32
      %masked_cummax3A_319 = vector.broadcast %masked_cummax3A_318 : i32 to vector<16xi32>
      %masked_cummax3A_320 = arith.xori %select_n3A_315, %masked_cummax3A_319 : vector<16xi32>
      %masked_cummax3A_321 = tpu.scan <max>, %masked_cummax3A_320 masked %broadcast_in_dim3A_317 : vector<16xi32>, vector<16xi1> -> vector<16xi32>
      %masked_cummax3A_322 = arith.xori %masked_cummax3A_321, %masked_cummax3A_319 : vector<16xi32>
      %sub3A_323 = arith.constant 1 : i32
      %sub3A_324 = vector.broadcast %sub3A_323 : i32 to vector<16xi32>
      %sub3A_325 = arith.subi %masked_cummax3A_322, %sub3A_324 : vector<16xi32>
      %max3A_326 = arith.constant 0 : i32
      %max3A_327 = vector.broadcast %max3A_326 : i32 to vector<16xi32>
      %max3A_328 = arith.maxsi %sub3A_325, %max3A_327 : vector<16xi32>
      %broadcast_in_dim3A_329 = vector.shape_cast %max3A_328 : vector<16xi32> to vector<16x1xi32>
      %gather3A_330 = vector.shape_cast %broadcast_in_dim3A_329 : vector<16x1xi32> to vector<16xi32>
      %gather3A_331 = tpu.dynamic_gather %masked_cumsum3A_312[%gather3A_330] in [0] : vector<16xf32>, vector<16xi32> -> vector<16xf32>
      %eq3A_332 = arith.constant 0 : i32
      %eq3A_333 = vector.broadcast %eq3A_332 : i32 to vector<16xi32>
      %eq3A_334 = arith.cmpi eq, %masked_cummax3A_322, %eq3A_333 : vector<16xi32>
      %broadcast_in_dim3A_335 = arith.constant 0.000000e+00 : f32
      %broadcast_in_dim3A_336 = vector.broadcast %broadcast_in_dim3A_335 : f32 to vector<16xf32>
      %select_n3A_337 = arith.select %eq3A_334, %broadcast_in_dim3A_336, %gather3A_331 : vector<16xi1>, vector<16xf32>
      %sub3A_338 = arith.subf %masked_cumsum3A_312, %select_n3A_337 : vector<16xf32>
      tpu.vector_store_idx %arg7[%get3A_277], %sub3A_338 masked %or3A_309 {add = true} : memref<1024xf32, #tpu.memory_space<vmem>>[vector<16xi32>], vector<16xf32>, vector<16xi1>
    }
    %scan3A_16 = arith.constant 304 : i32
    %scan3A_17 = arith.addi %scan3A_12, %scan3A_16 : i32
    %mul3A_18 = arith.constant 16 : i32
    %mul3A_19 = arith.muli %scan3A_17, %mul3A_18 : i32
    %get3A = arith.index_cast %mul3A_19 : i32 to index
    %get3A_20 = tpu.vector_load %arg5[%get3A] {strides = array<i32>} : memref<4880xi32, #tpu.memory_space<vmem>>, vector<16xi32>,
    %mul3A_21 = arith.constant 16 : i32
    %mul3A_22 = arith.muli %scan3A_17, %mul3A_21 : i32
    %get3A_23 = arith.index_cast %mul3A_22 : i32 to index
    %get3A_24 = tpu.vector_load %arg6[%get3A_23] {strides = array<i32>} : memref<4880xf32, #tpu.memory_space<vmem>>, vector<16xf32>,
    %sub3A = arith.constant 1 : i32
    %sub3A_25 = vector.broadcast %sub3A : i32 to vector<16xi32>
    %sub3A_26 = arith.subi %iota3A, %sub3A_25 : vector<16xi32>
    %max3A = arith.constant 0 : i32
    %max3A_27 = vector.broadcast %max3A : i32 to vector<16xi32>
    %max3A_28 = arith.maxsi %sub3A_26, %max3A_27 : vector<16xi32>
    %broadcast_in_dim3A_29 = vector.shape_cast %max3A_28 : vector<16xi32> to vector<16x1xi32>
    %gather3A = vector.shape_cast %broadcast_in_dim3A_29 : vector<16x1xi32> to vector<16xi32>
    %gather3A_30 = tpu.dynamic_gather %get3A_20[%gather3A] in [0] : vector<16xi32>, vector<16xi32> -> vector<16xi32>
    %add3A_31 = arith.constant 1 : i32
    %add3A_32 = vector.broadcast %add3A_31 : i32 to vector<16xi32>
    %add3A_33 = arith.addi %iota3A, %add3A_32 : vector<16xi32>
    %min3A = arith.constant 15 : i32
    %min3A_34 = vector.broadcast %min3A : i32 to vector<16xi32>
    %min3A_35 = arith.minsi %add3A_33, %min3A_34 : vector<16xi32>
    %broadcast_in_dim3A_36 = vector.shape_cast %min3A_35 : vector<16xi32> to vector<16x1xi32>
    %gather3A_37 = vector.shape_cast %broadcast_in_dim3A_36 : vector<16x1xi32> to vector<16xi32>
    %gather3A_38 = tpu.dynamic_gather %get3A_20[%gather3A_37] in [0] : vector<16xi32>, vector<16xi32> -> vector<16xi32>
    %eq3A = arith.constant 0 : i32
    %eq3A_39 = vector.broadcast %eq3A : i32 to vector<16xi32>
    %eq3A_40 = arith.cmpi eq, %iota3A, %eq3A_39 : vector<16xi32>
    %ne3A = arith.cmpi ne, %get3A_20, %gather3A_30 : vector<16xi32>
    %or3A = arith.ori %eq3A_40, %ne3A : vector<16xi1>
    %eq3A_41 = arith.constant 15 : i32
    %eq3A_42 = vector.broadcast %eq3A_41 : i32 to vector<16xi32>
    %eq3A_43 = arith.cmpi eq, %iota3A, %eq3A_42 : vector<16xi32>
    %ne3A_44 = arith.cmpi ne, %get3A_20, %gather3A_38 : vector<16xi32>
    %or3A_45 = arith.ori %eq3A_43, %ne3A_44 : vector<16xi1>
    %broadcast_in_dim3A_46 = arith.constant true
    %broadcast_in_dim3A_47 = vector.broadcast %broadcast_in_dim3A_46 : i1 to vector<16xi1>
    %masked_cumsum3A = tpu.scan <sum>, %get3A_24 masked %broadcast_in_dim3A_47 : vector<16xf32>, vector<16xi1> -> vector<16xf32>
    %jit3A = arith.constant 0 : i32
    %broadcast_in_dim3A_48 = vector.broadcast %jit3A : i32 to vector<16xi32>
    %select_n3A = arith.select %or3A, %iota3A, %broadcast_in_dim3A_48 : vector<16xi1>, vector<16xi32>
    %broadcast_in_dim3A_49 = arith.constant true
    %broadcast_in_dim3A_50 = vector.broadcast %broadcast_in_dim3A_49 : i1 to vector<16xi1>
    %masked_cummax3A = arith.constant -2147483648 : i32
    %masked_cummax3A_51 = vector.broadcast %masked_cummax3A : i32 to vector<16xi32>
    %masked_cummax3A_52 = arith.xori %select_n3A, %masked_cummax3A_51 : vector<16xi32>
    %masked_cummax3A_53 = tpu.scan <max>, %masked_cummax3A_52 masked %broadcast_in_dim3A_50 : vector<16xi32>, vector<16xi1> -> vector<16xi32>
    %masked_cummax3A_54 = arith.xori %masked_cummax3A_53, %masked_cummax3A_51 : vector<16xi32>
    %sub3A_55 = arith.constant 1 : i32
    %sub3A_56 = vector.broadcast %sub3A_55 : i32 to vector<16xi32>
    %sub3A_57 = arith.subi %masked_cummax3A_54, %sub3A_56 : vector<16xi32>
    %max3A_58 = arith.constant 0 : i32
    %max3A_59 = vector.broadcast %max3A_58 : i32 to vector<16xi32>
    %max3A_60 = arith.maxsi %sub3A_57, %max3A_59 : vector<16xi32>
    %broadcast_in_dim3A_61 = vector.shape_cast %max3A_60 : vector<16xi32> to vector<16x1xi32>
    %gather3A_62 = vector.shape_cast %broadcast_in_dim3A_61 : vector<16x1xi32> to vector<16xi32>
    %gather3A_63 = tpu.dynamic_gather %masked_cumsum3A[%gather3A_62] in [0] : vector<16xf32>, vector<16xi32> -> vector<16xf32>
    %eq3A_64 = arith.constant 0 : i32
    %eq3A_65 = vector.broadcast %eq3A_64 : i32 to vector<16xi32>
    %eq3A_66 = arith.cmpi eq, %masked_cummax3A_54, %eq3A_65 : vector<16xi32>
    %broadcast_in_dim3A_67 = arith.constant 0.000000e+00 : f32
    %broadcast_in_dim3A_68 = vector.broadcast %broadcast_in_dim3A_67 : f32 to vector<16xf32>
    %select_n3A_69 = arith.select %eq3A_66, %broadcast_in_dim3A_68, %gather3A_63 : vector<16xi1>, vector<16xf32>
    %sub3A_70 = arith.subf %masked_cumsum3A, %select_n3A_69 : vector<16xf32>
    tpu.vector_store_idx %arg7[%get3A_20], %sub3A_70 masked %or3A_45 {add = true} : memref<1024xf32, #tpu.memory_space<vmem>>[vector<16xi32>], vector<16xf32>, vector<16xi1>
    %scan3A_71 = arith.constant 305 : i32
    "tpu.region"() ({
      %run_scoped3A = tpu.sem_alloc : memref<!tpu.dma_semaphore, #tpu.memory_space<semaphore_mem>>
      %dma_start3A = arith.constant 0 : i32
      %dma_start3A_72 = tpu.memref_slice %arg4[%add3A, %dma_start3A] : memref<32x1024xf32, #tpu.memory_space<hbm>> -> memref<1x1024xf32, #tpu.memory_space<hbm>>
      %dma_start3A_73 = tpu.memref_squeeze %dma_start3A_72 : memref<1x1024xf32, #tpu.memory_space<hbm>> -> memref<1024xf32, #tpu.memory_space<hbm>>
      %dma_start3A_74 = arith.constant 0 : i32
      %dma_start3A_75 = tpu.memref_slice %arg4[%add3A, %dma_start3A_74] : memref<32x1024xf32, #tpu.memory_space<hbm>> -> memref<1x1024xf32, #tpu.memory_space<hbm>>
      %dma_start3A_76 = tpu.memref_squeeze %dma_start3A_75 : memref<1x1024xf32, #tpu.memory_space<hbm>> -> memref<1024xf32, #tpu.memory_space<hbm>>
      tpu.enqueue_dma source(%arg7 : memref<1024xf32, #tpu.memory_space<vmem>>) target(%dma_start3A_76 : memref<1024xf32, #tpu.memory_space<hbm>>) target_semaphore(%run_scoped3A : memref<!tpu.dma_semaphore, #tpu.memory_space<semaphore_mem>>)
      %dma_wait3A = arith.constant 0 : i32
      %dma_wait3A_77 = tpu.memref_slice %arg4[%add3A, %dma_wait3A] : memref<32x1024xf32, #tpu.memory_space<hbm>> -> memref<1x1024xf32, #tpu.memory_space<hbm>>
      %dma_wait3A_78 = tpu.memref_squeeze %dma_wait3A_77 : memref<1x1024xf32, #tpu.memory_space<hbm>> -> memref<1024xf32, #tpu.memory_space<hbm>>
      %dma_wait3A_79 = arith.constant 0 : i32
      %dma_wait3A_80 = tpu.memref_slice %arg4[%add3A, %dma_wait3A_79] : memref<32x1024xf32, #tpu.memory_space<hbm>> -> memref<1x1024xf32, #tpu.memory_space<hbm>>
      %dma_wait3A_81 = tpu.memref_squeeze %dma_wait3A_80 : memref<1x1024xf32, #tpu.memory_space<hbm>> -> memref<1024xf32, #tpu.memory_space<hbm>>
      tpu.wait_dma2 semaphore(%run_scoped3A : memref<!tpu.dma_semaphore, #tpu.memory_space<semaphore_mem>>) src(%arg7 : memref<1024xf32, #tpu.memory_space<vmem>>) dst(%dma_wait3A_81 : memref<1024xf32, #tpu.memory_space<hbm>>)
      tpu.yield
    }) : () -> ()
    return
  }
}

#map = affine_map<(d0, d1) -> (0)>
#map1 = affine_map<(d0, d1) -> (0, 0)>
module attributes {stable_mosaic.version = 14 : i64} {
  func.func @seg(%arg0: i32, %arg1: i32, %arg2: memref<163840xf32, #tpu.memory_space<hbm>>, %arg3: memref<320000xi32, #tpu.memory_space<hbm>>, %arg4: memref<32x1024xf32, #tpu.memory_space<hbm>>, %arg5: memref<5120xi32, #tpu.memory_space<vmem>>, %arg6: memref<5120xf32, #tpu.memory_space<vmem>>, %arg7: memref<1024xf32, #tpu.memory_space<vmem>>) attributes {dimension_semantics = [#tpu.dimension_semantics<core_parallel>, #tpu.dimension_semantics<subcore_parallel>], iteration_bounds = array<i64: 2, 16>, scalar_prefetch = 0 : i64, scratch_operands = 3 : i64, tpu.core_type = #tpu.core_type<sc_vector_subcore>, window_params = [{transform_indices = #map}, {transform_indices = #map}, {transform_indices = #map1}]} {
    %mul3A = arith.constant 2 : i32
    %mul3A_0 = arith.muli %arg1, %mul3A : i32
    %add3A = arith.addi %mul3A_0, %arg0 : i32
    %mul3A_1 = arith.constant 5120 : i32
    %mul3A_2 = arith.muli %add3A, %mul3A_1 : i32
    %add3A_3 = arith.constant 0 : i32
    %add3A_4 = arith.addi %add3A_3, %mul3A_2 : i32
    "tpu.region"() ({
      %run_scoped3A = tpu.sem_alloc : memref<!tpu.dma_semaphore, #tpu.memory_space<semaphore_mem>>
      %dma_start3A = tpu.memref_slice %arg3[%add3A_4] : memref<320000xi32, #tpu.memory_space<hbm>> -> memref<5120xi32, #tpu.memory_space<hbm>>
      %dma_start3A_17 = tpu.memref_slice %arg3[%add3A_4] : memref<320000xi32, #tpu.memory_space<hbm>> -> memref<5120xi32, #tpu.memory_space<hbm>>
      tpu.enqueue_dma source(%dma_start3A_17 : memref<5120xi32, #tpu.memory_space<hbm>>) target(%arg5 : memref<5120xi32, #tpu.memory_space<vmem>>) target_semaphore(%run_scoped3A : memref<!tpu.dma_semaphore, #tpu.memory_space<semaphore_mem>>)
      %dma_wait3A = tpu.memref_slice %arg3[%add3A_4] : memref<320000xi32, #tpu.memory_space<hbm>> -> memref<5120xi32, #tpu.memory_space<hbm>>
      %dma_wait3A_18 = tpu.memref_slice %arg3[%add3A_4] : memref<320000xi32, #tpu.memory_space<hbm>> -> memref<5120xi32, #tpu.memory_space<hbm>>
      tpu.wait_dma2 semaphore(%run_scoped3A : memref<!tpu.dma_semaphore, #tpu.memory_space<semaphore_mem>>) src(%dma_wait3A_18 : memref<5120xi32, #tpu.memory_space<hbm>>) dst(%arg5 : memref<5120xi32, #tpu.memory_space<vmem>>)
      tpu.yield
    }) : () -> ()
    "tpu.region"() ({
      %run_scoped3A = tpu.sem_alloc : memref<!tpu.dma_semaphore, #tpu.memory_space<semaphore_mem>>
      %dma_start3A = tpu.memref_slice %arg2[%mul3A_2] : memref<163840xf32, #tpu.memory_space<hbm>> -> memref<5120xf32, #tpu.memory_space<hbm>>
      %dma_start3A_17 = tpu.memref_slice %arg2[%mul3A_2] : memref<163840xf32, #tpu.memory_space<hbm>> -> memref<5120xf32, #tpu.memory_space<hbm>>
      tpu.enqueue_dma source(%dma_start3A_17 : memref<5120xf32, #tpu.memory_space<hbm>>) target(%arg6 : memref<5120xf32, #tpu.memory_space<vmem>>) target_semaphore(%run_scoped3A : memref<!tpu.dma_semaphore, #tpu.memory_space<semaphore_mem>>)
      %dma_wait3A = tpu.memref_slice %arg2[%mul3A_2] : memref<163840xf32, #tpu.memory_space<hbm>> -> memref<5120xf32, #tpu.memory_space<hbm>>
      %dma_wait3A_18 = tpu.memref_slice %arg2[%mul3A_2] : memref<163840xf32, #tpu.memory_space<hbm>> -> memref<5120xf32, #tpu.memory_space<hbm>>
      tpu.wait_dma2 semaphore(%run_scoped3A : memref<!tpu.dma_semaphore, #tpu.memory_space<semaphore_mem>>) src(%dma_wait3A_18 : memref<5120xf32, #tpu.memory_space<hbm>>) dst(%arg6 : memref<5120xf32, #tpu.memory_space<vmem>>)
      tpu.yield
    }) : () -> ()
    %broadcast_in_dim3A = arith.constant 0.000000e+00 : f32
    %broadcast_in_dim3A_5 = vector.broadcast %broadcast_in_dim3A : f32 to vector<16xf32>
    %scan3A = arith.constant 0 : i32
    %scan3A_6 = arith.constant 0 : i32
    %scan3A_7 = arith.constant 64 : i32
    %scan3A_8 = arith.addi %scan3A_6, %scan3A_7 : i32
    %scan3A_9 = arith.constant 4 : i32
    scf.for %scan3A_17 = %scan3A_6 to %scan3A_8 step %scan3A_9  : i32 {
      %mul3A_18 = arith.constant 16 : i32
      %mul3A_19 = arith.muli %scan3A_17, %mul3A_18 : i32
      %swap3A = arith.index_cast %mul3A_19 : i32 to index
      %swap3A_20 = tpu.vector_load %arg7[%swap3A] {strides = array<i32>} : memref<1024xf32, #tpu.memory_space<vmem>>, vector<16xf32>,
      tpu.vector_store %arg7[%swap3A], %broadcast_in_dim3A_5 {strides = array<i32>} : memref<1024xf32, #tpu.memory_space<vmem>>, vector<16xf32>,
      %scan3A_21 = arith.constant 1 : i32
      %scan3A_22 = arith.addi %scan3A_17, %scan3A_21 : i32
      %mul3A_23 = arith.constant 16 : i32
      %mul3A_24 = arith.muli %scan3A_22, %mul3A_23 : i32
      %swap3A_25 = arith.index_cast %mul3A_24 : i32 to index
      %swap3A_26 = tpu.vector_load %arg7[%swap3A_25] {strides = array<i32>} : memref<1024xf32, #tpu.memory_space<vmem>>, vector<16xf32>,
      tpu.vector_store %arg7[%swap3A_25], %broadcast_in_dim3A_5 {strides = array<i32>} : memref<1024xf32, #tpu.memory_space<vmem>>, vector<16xf32>,
      %scan3A_27 = arith.constant 2 : i32
      %scan3A_28 = arith.addi %scan3A_17, %scan3A_27 : i32
      %mul3A_29 = arith.constant 16 : i32
      %mul3A_30 = arith.muli %scan3A_28, %mul3A_29 : i32
      %swap3A_31 = arith.index_cast %mul3A_30 : i32 to index
      %swap3A_32 = tpu.vector_load %arg7[%swap3A_31] {strides = array<i32>} : memref<1024xf32, #tpu.memory_space<vmem>>, vector<16xf32>,
      tpu.vector_store %arg7[%swap3A_31], %broadcast_in_dim3A_5 {strides = array<i32>} : memref<1024xf32, #tpu.memory_space<vmem>>, vector<16xf32>,
      %scan3A_33 = arith.constant 3 : i32
      %scan3A_34 = arith.addi %scan3A_17, %scan3A_33 : i32
      %mul3A_35 = arith.constant 16 : i32
      %mul3A_36 = arith.muli %scan3A_34, %mul3A_35 : i32
      %swap3A_37 = arith.index_cast %mul3A_36 : i32 to index
      %swap3A_38 = tpu.vector_load %arg7[%swap3A_37] {strides = array<i32>} : memref<1024xf32, #tpu.memory_space<vmem>>, vector<16xf32>,
      tpu.vector_store %arg7[%swap3A_37], %broadcast_in_dim3A_5 {strides = array<i32>} : memref<1024xf32, #tpu.memory_space<vmem>>, vector<16xf32>,
    }
    %scan3A_10 = arith.constant 64 : i32
    %iota3A = tpu.iota {dimensions = array<i32: 0>} : vector<16xi32>
    %scan3A_11 = arith.constant 0 : i32
    %scan3A_12 = arith.constant 0 : i32
    %scan3A_13 = arith.constant 320 : i32
    %scan3A_14 = arith.addi %scan3A_12, %scan3A_13 : i32
    %scan3A_15 = arith.constant 4 : i32
    scf.for %scan3A_17 = %scan3A_12 to %scan3A_14 step %scan3A_15  : i32 {
      %mul3A_18 = arith.constant 16 : i32
      %mul3A_19 = arith.muli %scan3A_17, %mul3A_18 : i32
      %get3A = arith.index_cast %mul3A_19 : i32 to index
      %get3A_20 = tpu.vector_load %arg5[%get3A] {strides = array<i32>} : memref<5120xi32, #tpu.memory_space<vmem>>, vector<16xi32>,
      %mul3A_21 = arith.constant 16 : i32
      %mul3A_22 = arith.muli %scan3A_17, %mul3A_21 : i32
      %get3A_23 = arith.index_cast %mul3A_22 : i32 to index
      %get3A_24 = tpu.vector_load %arg6[%get3A_23] {strides = array<i32>} : memref<5120xf32, #tpu.memory_space<vmem>>, vector<16xf32>,
      %sub3A = arith.constant 1 : i32
      %sub3A_25 = vector.broadcast %sub3A : i32 to vector<16xi32>
      %sub3A_26 = arith.subi %iota3A, %sub3A_25 : vector<16xi32>
      %max3A = arith.constant 0 : i32
      %max3A_27 = vector.broadcast %max3A : i32 to vector<16xi32>
      %max3A_28 = arith.maxsi %sub3A_26, %max3A_27 : vector<16xi32>
      %broadcast_in_dim3A_29 = vector.shape_cast %max3A_28 : vector<16xi32> to vector<16x1xi32>
      %gather3A = vector.shape_cast %broadcast_in_dim3A_29 : vector<16x1xi32> to vector<16xi32>
      %gather3A_30 = tpu.dynamic_gather %get3A_20[%gather3A] in [0] : vector<16xi32>, vector<16xi32> -> vector<16xi32>
      %add3A_31 = arith.constant 1 : i32
      %add3A_32 = vector.broadcast %add3A_31 : i32 to vector<16xi32>
      %add3A_33 = arith.addi %iota3A, %add3A_32 : vector<16xi32>
      %min3A = arith.constant 15 : i32
      %min3A_34 = vector.broadcast %min3A : i32 to vector<16xi32>
      %min3A_35 = arith.minsi %add3A_33, %min3A_34 : vector<16xi32>
      %broadcast_in_dim3A_36 = vector.shape_cast %min3A_35 : vector<16xi32> to vector<16x1xi32>
      %gather3A_37 = vector.shape_cast %broadcast_in_dim3A_36 : vector<16x1xi32> to vector<16xi32>
      %gather3A_38 = tpu.dynamic_gather %get3A_20[%gather3A_37] in [0] : vector<16xi32>, vector<16xi32> -> vector<16xi32>
      %eq3A = arith.constant 0 : i32
      %eq3A_39 = vector.broadcast %eq3A : i32 to vector<16xi32>
      %eq3A_40 = arith.cmpi eq, %iota3A, %eq3A_39 : vector<16xi32>
      %ne3A = arith.cmpi ne, %get3A_20, %gather3A_30 : vector<16xi32>
      %or3A = arith.ori %eq3A_40, %ne3A : vector<16xi1>
      %eq3A_41 = arith.constant 15 : i32
      %eq3A_42 = vector.broadcast %eq3A_41 : i32 to vector<16xi32>
      %eq3A_43 = arith.cmpi eq, %iota3A, %eq3A_42 : vector<16xi32>
      %ne3A_44 = arith.cmpi ne, %get3A_20, %gather3A_38 : vector<16xi32>
      %or3A_45 = arith.ori %eq3A_43, %ne3A_44 : vector<16xi1>
      %broadcast_in_dim3A_46 = arith.constant true
      %broadcast_in_dim3A_47 = vector.broadcast %broadcast_in_dim3A_46 : i1 to vector<16xi1>
      %masked_cumsum3A = tpu.scan <sum>, %get3A_24 masked %broadcast_in_dim3A_47 : vector<16xf32>, vector<16xi1> -> vector<16xf32>
      %jit3A = arith.constant 0 : i32
      %broadcast_in_dim3A_48 = vector.broadcast %jit3A : i32 to vector<16xi32>
      %select_n3A = arith.select %or3A, %iota3A, %broadcast_in_dim3A_48 : vector<16xi1>, vector<16xi32>
      %broadcast_in_dim3A_49 = arith.constant true
      %broadcast_in_dim3A_50 = vector.broadcast %broadcast_in_dim3A_49 : i1 to vector<16xi1>
      %masked_cummax3A = arith.constant -2147483648 : i32
      %masked_cummax3A_51 = vector.broadcast %masked_cummax3A : i32 to vector<16xi32>
      %masked_cummax3A_52 = arith.xori %select_n3A, %masked_cummax3A_51 : vector<16xi32>
      %masked_cummax3A_53 = tpu.scan <max>, %masked_cummax3A_52 masked %broadcast_in_dim3A_50 : vector<16xi32>, vector<16xi1> -> vector<16xi32>
      %masked_cummax3A_54 = arith.xori %masked_cummax3A_53, %masked_cummax3A_51 : vector<16xi32>
      %sub3A_55 = arith.constant 1 : i32
      %sub3A_56 = vector.broadcast %sub3A_55 : i32 to vector<16xi32>
      %sub3A_57 = arith.subi %masked_cummax3A_54, %sub3A_56 : vector<16xi32>
      %max3A_58 = arith.constant 0 : i32
      %max3A_59 = vector.broadcast %max3A_58 : i32 to vector<16xi32>
      %max3A_60 = arith.maxsi %sub3A_57, %max3A_59 : vector<16xi32>
      %broadcast_in_dim3A_61 = vector.shape_cast %max3A_60 : vector<16xi32> to vector<16x1xi32>
      %gather3A_62 = vector.shape_cast %broadcast_in_dim3A_61 : vector<16x1xi32> to vector<16xi32>
      %gather3A_63 = tpu.dynamic_gather %masked_cumsum3A[%gather3A_62] in [0] : vector<16xf32>, vector<16xi32> -> vector<16xf32>
      %eq3A_64 = arith.constant 0 : i32
      %eq3A_65 = vector.broadcast %eq3A_64 : i32 to vector<16xi32>
      %eq3A_66 = arith.cmpi eq, %masked_cummax3A_54, %eq3A_65 : vector<16xi32>
      %broadcast_in_dim3A_67 = arith.constant 0.000000e+00 : f32
      %broadcast_in_dim3A_68 = vector.broadcast %broadcast_in_dim3A_67 : f32 to vector<16xf32>
      %select_n3A_69 = arith.select %eq3A_66, %broadcast_in_dim3A_68, %gather3A_63 : vector<16xi1>, vector<16xf32>
      %sub3A_70 = arith.subf %masked_cumsum3A, %select_n3A_69 : vector<16xf32>
      tpu.vector_store_idx %arg7[%get3A_20], %sub3A_70 masked %or3A_45 {add = true} : memref<1024xf32, #tpu.memory_space<vmem>>[vector<16xi32>], vector<16xf32>, vector<16xi1>
      %scan3A_71 = arith.constant 1 : i32
      %scan3A_72 = arith.addi %scan3A_17, %scan3A_71 : i32
      %mul3A_73 = arith.constant 16 : i32
      %mul3A_74 = arith.muli %scan3A_72, %mul3A_73 : i32
      %get3A_75 = arith.index_cast %mul3A_74 : i32 to index
      %get3A_76 = tpu.vector_load %arg5[%get3A_75] {strides = array<i32>} : memref<5120xi32, #tpu.memory_space<vmem>>, vector<16xi32>,
      %mul3A_77 = arith.constant 16 : i32
      %mul3A_78 = arith.muli %scan3A_72, %mul3A_77 : i32
      %get3A_79 = arith.index_cast %mul3A_78 : i32 to index
      %get3A_80 = tpu.vector_load %arg6[%get3A_79] {strides = array<i32>} : memref<5120xf32, #tpu.memory_space<vmem>>, vector<16xf32>,
      %sub3A_81 = arith.constant 1 : i32
      %sub3A_82 = vector.broadcast %sub3A_81 : i32 to vector<16xi32>
      %sub3A_83 = arith.subi %iota3A, %sub3A_82 : vector<16xi32>
      %max3A_84 = arith.constant 0 : i32
      %max3A_85 = vector.broadcast %max3A_84 : i32 to vector<16xi32>
      %max3A_86 = arith.maxsi %sub3A_83, %max3A_85 : vector<16xi32>
      %broadcast_in_dim3A_87 = vector.shape_cast %max3A_86 : vector<16xi32> to vector<16x1xi32>
      %gather3A_88 = vector.shape_cast %broadcast_in_dim3A_87 : vector<16x1xi32> to vector<16xi32>
      %gather3A_89 = tpu.dynamic_gather %get3A_76[%gather3A_88] in [0] : vector<16xi32>, vector<16xi32> -> vector<16xi32>
      %add3A_90 = arith.constant 1 : i32
      %add3A_91 = vector.broadcast %add3A_90 : i32 to vector<16xi32>
      %add3A_92 = arith.addi %iota3A, %add3A_91 : vector<16xi32>
      %min3A_93 = arith.constant 15 : i32
      %min3A_94 = vector.broadcast %min3A_93 : i32 to vector<16xi32>
      %min3A_95 = arith.minsi %add3A_92, %min3A_94 : vector<16xi32>
      %broadcast_in_dim3A_96 = vector.shape_cast %min3A_95 : vector<16xi32> to vector<16x1xi32>
      %gather3A_97 = vector.shape_cast %broadcast_in_dim3A_96 : vector<16x1xi32> to vector<16xi32>
      %gather3A_98 = tpu.dynamic_gather %get3A_76[%gather3A_97] in [0] : vector<16xi32>, vector<16xi32> -> vector<16xi32>
      %eq3A_99 = arith.constant 0 : i32
      %eq3A_100 = vector.broadcast %eq3A_99 : i32 to vector<16xi32>
      %eq3A_101 = arith.cmpi eq, %iota3A, %eq3A_100 : vector<16xi32>
      %ne3A_102 = arith.cmpi ne, %get3A_76, %gather3A_89 : vector<16xi32>
      %or3A_103 = arith.ori %eq3A_101, %ne3A_102 : vector<16xi1>
      %eq3A_104 = arith.constant 15 : i32
      %eq3A_105 = vector.broadcast %eq3A_104 : i32 to vector<16xi32>
      %eq3A_106 = arith.cmpi eq, %iota3A, %eq3A_105 : vector<16xi32>
      %ne3A_107 = arith.cmpi ne, %get3A_76, %gather3A_98 : vector<16xi32>
      %or3A_108 = arith.ori %eq3A_106, %ne3A_107 : vector<16xi1>
      %broadcast_in_dim3A_109 = arith.constant true
      %broadcast_in_dim3A_110 = vector.broadcast %broadcast_in_dim3A_109 : i1 to vector<16xi1>
      %masked_cumsum3A_111 = tpu.scan <sum>, %get3A_80 masked %broadcast_in_dim3A_110 : vector<16xf32>, vector<16xi1> -> vector<16xf32>
      %jit3A_112 = arith.constant 0 : i32
      %broadcast_in_dim3A_113 = vector.broadcast %jit3A_112 : i32 to vector<16xi32>
      %select_n3A_114 = arith.select %or3A_103, %iota3A, %broadcast_in_dim3A_113 : vector<16xi1>, vector<16xi32>
      %broadcast_in_dim3A_115 = arith.constant true
      %broadcast_in_dim3A_116 = vector.broadcast %broadcast_in_dim3A_115 : i1 to vector<16xi1>
      %masked_cummax3A_117 = arith.constant -2147483648 : i32
      %masked_cummax3A_118 = vector.broadcast %masked_cummax3A_117 : i32 to vector<16xi32>
      %masked_cummax3A_119 = arith.xori %select_n3A_114, %masked_cummax3A_118 : vector<16xi32>
      %masked_cummax3A_120 = tpu.scan <max>, %masked_cummax3A_119 masked %broadcast_in_dim3A_116 : vector<16xi32>, vector<16xi1> -> vector<16xi32>
      %masked_cummax3A_121 = arith.xori %masked_cummax3A_120, %masked_cummax3A_118 : vector<16xi32>
      %sub3A_122 = arith.constant 1 : i32
      %sub3A_123 = vector.broadcast %sub3A_122 : i32 to vector<16xi32>
      %sub3A_124 = arith.subi %masked_cummax3A_121, %sub3A_123 : vector<16xi32>
      %max3A_125 = arith.constant 0 : i32
      %max3A_126 = vector.broadcast %max3A_125 : i32 to vector<16xi32>
      %max3A_127 = arith.maxsi %sub3A_124, %max3A_126 : vector<16xi32>
      %broadcast_in_dim3A_128 = vector.shape_cast %max3A_127 : vector<16xi32> to vector<16x1xi32>
      %gather3A_129 = vector.shape_cast %broadcast_in_dim3A_128 : vector<16x1xi32> to vector<16xi32>
      %gather3A_130 = tpu.dynamic_gather %masked_cumsum3A_111[%gather3A_129] in [0] : vector<16xf32>, vector<16xi32> -> vector<16xf32>
      %eq3A_131 = arith.constant 0 : i32
      %eq3A_132 = vector.broadcast %eq3A_131 : i32 to vector<16xi32>
      %eq3A_133 = arith.cmpi eq, %masked_cummax3A_121, %eq3A_132 : vector<16xi32>
      %broadcast_in_dim3A_134 = arith.constant 0.000000e+00 : f32
      %broadcast_in_dim3A_135 = vector.broadcast %broadcast_in_dim3A_134 : f32 to vector<16xf32>
      %select_n3A_136 = arith.select %eq3A_133, %broadcast_in_dim3A_135, %gather3A_130 : vector<16xi1>, vector<16xf32>
      %sub3A_137 = arith.subf %masked_cumsum3A_111, %select_n3A_136 : vector<16xf32>
      tpu.vector_store_idx %arg7[%get3A_76], %sub3A_137 masked %or3A_108 {add = true} : memref<1024xf32, #tpu.memory_space<vmem>>[vector<16xi32>], vector<16xf32>, vector<16xi1>
      %scan3A_138 = arith.constant 2 : i32
      %scan3A_139 = arith.addi %scan3A_17, %scan3A_138 : i32
      %mul3A_140 = arith.constant 16 : i32
      %mul3A_141 = arith.muli %scan3A_139, %mul3A_140 : i32
      %get3A_142 = arith.index_cast %mul3A_141 : i32 to index
      %get3A_143 = tpu.vector_load %arg5[%get3A_142] {strides = array<i32>} : memref<5120xi32, #tpu.memory_space<vmem>>, vector<16xi32>,
      %mul3A_144 = arith.constant 16 : i32
      %mul3A_145 = arith.muli %scan3A_139, %mul3A_144 : i32
      %get3A_146 = arith.index_cast %mul3A_145 : i32 to index
      %get3A_147 = tpu.vector_load %arg6[%get3A_146] {strides = array<i32>} : memref<5120xf32, #tpu.memory_space<vmem>>, vector<16xf32>,
      %sub3A_148 = arith.constant 1 : i32
      %sub3A_149 = vector.broadcast %sub3A_148 : i32 to vector<16xi32>
      %sub3A_150 = arith.subi %iota3A, %sub3A_149 : vector<16xi32>
      %max3A_151 = arith.constant 0 : i32
      %max3A_152 = vector.broadcast %max3A_151 : i32 to vector<16xi32>
      %max3A_153 = arith.maxsi %sub3A_150, %max3A_152 : vector<16xi32>
      %broadcast_in_dim3A_154 = vector.shape_cast %max3A_153 : vector<16xi32> to vector<16x1xi32>
      %gather3A_155 = vector.shape_cast %broadcast_in_dim3A_154 : vector<16x1xi32> to vector<16xi32>
      %gather3A_156 = tpu.dynamic_gather %get3A_143[%gather3A_155] in [0] : vector<16xi32>, vector<16xi32> -> vector<16xi32>
      %add3A_157 = arith.constant 1 : i32
      %add3A_158 = vector.broadcast %add3A_157 : i32 to vector<16xi32>
      %add3A_159 = arith.addi %iota3A, %add3A_158 : vector<16xi32>
      %min3A_160 = arith.constant 15 : i32
      %min3A_161 = vector.broadcast %min3A_160 : i32 to vector<16xi32>
      %min3A_162 = arith.minsi %add3A_159, %min3A_161 : vector<16xi32>
      %broadcast_in_dim3A_163 = vector.shape_cast %min3A_162 : vector<16xi32> to vector<16x1xi32>
      %gather3A_164 = vector.shape_cast %broadcast_in_dim3A_163 : vector<16x1xi32> to vector<16xi32>
      %gather3A_165 = tpu.dynamic_gather %get3A_143[%gather3A_164] in [0] : vector<16xi32>, vector<16xi32> -> vector<16xi32>
      %eq3A_166 = arith.constant 0 : i32
      %eq3A_167 = vector.broadcast %eq3A_166 : i32 to vector<16xi32>
      %eq3A_168 = arith.cmpi eq, %iota3A, %eq3A_167 : vector<16xi32>
      %ne3A_169 = arith.cmpi ne, %get3A_143, %gather3A_156 : vector<16xi32>
      %or3A_170 = arith.ori %eq3A_168, %ne3A_169 : vector<16xi1>
      %eq3A_171 = arith.constant 15 : i32
      %eq3A_172 = vector.broadcast %eq3A_171 : i32 to vector<16xi32>
      %eq3A_173 = arith.cmpi eq, %iota3A, %eq3A_172 : vector<16xi32>
      %ne3A_174 = arith.cmpi ne, %get3A_143, %gather3A_165 : vector<16xi32>
      %or3A_175 = arith.ori %eq3A_173, %ne3A_174 : vector<16xi1>
      %broadcast_in_dim3A_176 = arith.constant true
      %broadcast_in_dim3A_177 = vector.broadcast %broadcast_in_dim3A_176 : i1 to vector<16xi1>
      %masked_cumsum3A_178 = tpu.scan <sum>, %get3A_147 masked %broadcast_in_dim3A_177 : vector<16xf32>, vector<16xi1> -> vector<16xf32>
      %jit3A_179 = arith.constant 0 : i32
      %broadcast_in_dim3A_180 = vector.broadcast %jit3A_179 : i32 to vector<16xi32>
      %select_n3A_181 = arith.select %or3A_170, %iota3A, %broadcast_in_dim3A_180 : vector<16xi1>, vector<16xi32>
      %broadcast_in_dim3A_182 = arith.constant true
      %broadcast_in_dim3A_183 = vector.broadcast %broadcast_in_dim3A_182 : i1 to vector<16xi1>
      %masked_cummax3A_184 = arith.constant -2147483648 : i32
      %masked_cummax3A_185 = vector.broadcast %masked_cummax3A_184 : i32 to vector<16xi32>
      %masked_cummax3A_186 = arith.xori %select_n3A_181, %masked_cummax3A_185 : vector<16xi32>
      %masked_cummax3A_187 = tpu.scan <max>, %masked_cummax3A_186 masked %broadcast_in_dim3A_183 : vector<16xi32>, vector<16xi1> -> vector<16xi32>
      %masked_cummax3A_188 = arith.xori %masked_cummax3A_187, %masked_cummax3A_185 : vector<16xi32>
      %sub3A_189 = arith.constant 1 : i32
      %sub3A_190 = vector.broadcast %sub3A_189 : i32 to vector<16xi32>
      %sub3A_191 = arith.subi %masked_cummax3A_188, %sub3A_190 : vector<16xi32>
      %max3A_192 = arith.constant 0 : i32
      %max3A_193 = vector.broadcast %max3A_192 : i32 to vector<16xi32>
      %max3A_194 = arith.maxsi %sub3A_191, %max3A_193 : vector<16xi32>
      %broadcast_in_dim3A_195 = vector.shape_cast %max3A_194 : vector<16xi32> to vector<16x1xi32>
      %gather3A_196 = vector.shape_cast %broadcast_in_dim3A_195 : vector<16x1xi32> to vector<16xi32>
      %gather3A_197 = tpu.dynamic_gather %masked_cumsum3A_178[%gather3A_196] in [0] : vector<16xf32>, vector<16xi32> -> vector<16xf32>
      %eq3A_198 = arith.constant 0 : i32
      %eq3A_199 = vector.broadcast %eq3A_198 : i32 to vector<16xi32>
      %eq3A_200 = arith.cmpi eq, %masked_cummax3A_188, %eq3A_199 : vector<16xi32>
      %broadcast_in_dim3A_201 = arith.constant 0.000000e+00 : f32
      %broadcast_in_dim3A_202 = vector.broadcast %broadcast_in_dim3A_201 : f32 to vector<16xf32>
      %select_n3A_203 = arith.select %eq3A_200, %broadcast_in_dim3A_202, %gather3A_197 : vector<16xi1>, vector<16xf32>
      %sub3A_204 = arith.subf %masked_cumsum3A_178, %select_n3A_203 : vector<16xf32>
      tpu.vector_store_idx %arg7[%get3A_143], %sub3A_204 masked %or3A_175 {add = true} : memref<1024xf32, #tpu.memory_space<vmem>>[vector<16xi32>], vector<16xf32>, vector<16xi1>
      %scan3A_205 = arith.constant 3 : i32
      %scan3A_206 = arith.addi %scan3A_17, %scan3A_205 : i32
      %mul3A_207 = arith.constant 16 : i32
      %mul3A_208 = arith.muli %scan3A_206, %mul3A_207 : i32
      %get3A_209 = arith.index_cast %mul3A_208 : i32 to index
      %get3A_210 = tpu.vector_load %arg5[%get3A_209] {strides = array<i32>} : memref<5120xi32, #tpu.memory_space<vmem>>, vector<16xi32>,
      %mul3A_211 = arith.constant 16 : i32
      %mul3A_212 = arith.muli %scan3A_206, %mul3A_211 : i32
      %get3A_213 = arith.index_cast %mul3A_212 : i32 to index
      %get3A_214 = tpu.vector_load %arg6[%get3A_213] {strides = array<i32>} : memref<5120xf32, #tpu.memory_space<vmem>>, vector<16xf32>,
      %sub3A_215 = arith.constant 1 : i32
      %sub3A_216 = vector.broadcast %sub3A_215 : i32 to vector<16xi32>
      %sub3A_217 = arith.subi %iota3A, %sub3A_216 : vector<16xi32>
      %max3A_218 = arith.constant 0 : i32
      %max3A_219 = vector.broadcast %max3A_218 : i32 to vector<16xi32>
      %max3A_220 = arith.maxsi %sub3A_217, %max3A_219 : vector<16xi32>
      %broadcast_in_dim3A_221 = vector.shape_cast %max3A_220 : vector<16xi32> to vector<16x1xi32>
      %gather3A_222 = vector.shape_cast %broadcast_in_dim3A_221 : vector<16x1xi32> to vector<16xi32>
      %gather3A_223 = tpu.dynamic_gather %get3A_210[%gather3A_222] in [0] : vector<16xi32>, vector<16xi32> -> vector<16xi32>
      %add3A_224 = arith.constant 1 : i32
      %add3A_225 = vector.broadcast %add3A_224 : i32 to vector<16xi32>
      %add3A_226 = arith.addi %iota3A, %add3A_225 : vector<16xi32>
      %min3A_227 = arith.constant 15 : i32
      %min3A_228 = vector.broadcast %min3A_227 : i32 to vector<16xi32>
      %min3A_229 = arith.minsi %add3A_226, %min3A_228 : vector<16xi32>
      %broadcast_in_dim3A_230 = vector.shape_cast %min3A_229 : vector<16xi32> to vector<16x1xi32>
      %gather3A_231 = vector.shape_cast %broadcast_in_dim3A_230 : vector<16x1xi32> to vector<16xi32>
      %gather3A_232 = tpu.dynamic_gather %get3A_210[%gather3A_231] in [0] : vector<16xi32>, vector<16xi32> -> vector<16xi32>
      %eq3A_233 = arith.constant 0 : i32
      %eq3A_234 = vector.broadcast %eq3A_233 : i32 to vector<16xi32>
      %eq3A_235 = arith.cmpi eq, %iota3A, %eq3A_234 : vector<16xi32>
      %ne3A_236 = arith.cmpi ne, %get3A_210, %gather3A_223 : vector<16xi32>
      %or3A_237 = arith.ori %eq3A_235, %ne3A_236 : vector<16xi1>
      %eq3A_238 = arith.constant 15 : i32
      %eq3A_239 = vector.broadcast %eq3A_238 : i32 to vector<16xi32>
      %eq3A_240 = arith.cmpi eq, %iota3A, %eq3A_239 : vector<16xi32>
      %ne3A_241 = arith.cmpi ne, %get3A_210, %gather3A_232 : vector<16xi32>
      %or3A_242 = arith.ori %eq3A_240, %ne3A_241 : vector<16xi1>
      %broadcast_in_dim3A_243 = arith.constant true
      %broadcast_in_dim3A_244 = vector.broadcast %broadcast_in_dim3A_243 : i1 to vector<16xi1>
      %masked_cumsum3A_245 = tpu.scan <sum>, %get3A_214 masked %broadcast_in_dim3A_244 : vector<16xf32>, vector<16xi1> -> vector<16xf32>
      %jit3A_246 = arith.constant 0 : i32
      %broadcast_in_dim3A_247 = vector.broadcast %jit3A_246 : i32 to vector<16xi32>
      %select_n3A_248 = arith.select %or3A_237, %iota3A, %broadcast_in_dim3A_247 : vector<16xi1>, vector<16xi32>
      %broadcast_in_dim3A_249 = arith.constant true
      %broadcast_in_dim3A_250 = vector.broadcast %broadcast_in_dim3A_249 : i1 to vector<16xi1>
      %masked_cummax3A_251 = arith.constant -2147483648 : i32
      %masked_cummax3A_252 = vector.broadcast %masked_cummax3A_251 : i32 to vector<16xi32>
      %masked_cummax3A_253 = arith.xori %select_n3A_248, %masked_cummax3A_252 : vector<16xi32>
      %masked_cummax3A_254 = tpu.scan <max>, %masked_cummax3A_253 masked %broadcast_in_dim3A_250 : vector<16xi32>, vector<16xi1> -> vector<16xi32>
      %masked_cummax3A_255 = arith.xori %masked_cummax3A_254, %masked_cummax3A_252 : vector<16xi32>
      %sub3A_256 = arith.constant 1 : i32
      %sub3A_257 = vector.broadcast %sub3A_256 : i32 to vector<16xi32>
      %sub3A_258 = arith.subi %masked_cummax3A_255, %sub3A_257 : vector<16xi32>
      %max3A_259 = arith.constant 0 : i32
      %max3A_260 = vector.broadcast %max3A_259 : i32 to vector<16xi32>
      %max3A_261 = arith.maxsi %sub3A_258, %max3A_260 : vector<16xi32>
      %broadcast_in_dim3A_262 = vector.shape_cast %max3A_261 : vector<16xi32> to vector<16x1xi32>
      %gather3A_263 = vector.shape_cast %broadcast_in_dim3A_262 : vector<16x1xi32> to vector<16xi32>
      %gather3A_264 = tpu.dynamic_gather %masked_cumsum3A_245[%gather3A_263] in [0] : vector<16xf32>, vector<16xi32> -> vector<16xf32>
      %eq3A_265 = arith.constant 0 : i32
      %eq3A_266 = vector.broadcast %eq3A_265 : i32 to vector<16xi32>
      %eq3A_267 = arith.cmpi eq, %masked_cummax3A_255, %eq3A_266 : vector<16xi32>
      %broadcast_in_dim3A_268 = arith.constant 0.000000e+00 : f32
      %broadcast_in_dim3A_269 = vector.broadcast %broadcast_in_dim3A_268 : f32 to vector<16xf32>
      %select_n3A_270 = arith.select %eq3A_267, %broadcast_in_dim3A_269, %gather3A_264 : vector<16xi1>, vector<16xf32>
      %sub3A_271 = arith.subf %masked_cumsum3A_245, %select_n3A_270 : vector<16xf32>
      tpu.vector_store_idx %arg7[%get3A_210], %sub3A_271 masked %or3A_242 {add = true} : memref<1024xf32, #tpu.memory_space<vmem>>[vector<16xi32>], vector<16xf32>, vector<16xi1>
    }
    %scan3A_16 = arith.constant 320 : i32
    "tpu.region"() ({
      %run_scoped3A = tpu.sem_alloc : memref<!tpu.dma_semaphore, #tpu.memory_space<semaphore_mem>>
      %dma_start3A = arith.constant 0 : i32
      %dma_start3A_17 = tpu.memref_slice %arg4[%add3A, %dma_start3A] : memref<32x1024xf32, #tpu.memory_space<hbm>> -> memref<1x1024xf32, #tpu.memory_space<hbm>>
      %dma_start3A_18 = tpu.memref_squeeze %dma_start3A_17 : memref<1x1024xf32, #tpu.memory_space<hbm>> -> memref<1024xf32, #tpu.memory_space<hbm>>
      %dma_start3A_19 = arith.constant 0 : i32
      %dma_start3A_20 = tpu.memref_slice %arg4[%add3A, %dma_start3A_19] : memref<32x1024xf32, #tpu.memory_space<hbm>> -> memref<1x1024xf32, #tpu.memory_space<hbm>>
      %dma_start3A_21 = tpu.memref_squeeze %dma_start3A_20 : memref<1x1024xf32, #tpu.memory_space<hbm>> -> memref<1024xf32, #tpu.memory_space<hbm>>
      tpu.enqueue_dma source(%arg7 : memref<1024xf32, #tpu.memory_space<vmem>>) target(%dma_start3A_21 : memref<1024xf32, #tpu.memory_space<hbm>>) target_semaphore(%run_scoped3A : memref<!tpu.dma_semaphore, #tpu.memory_space<semaphore_mem>>)
      %dma_wait3A = arith.constant 0 : i32
      %dma_wait3A_22 = tpu.memref_slice %arg4[%add3A, %dma_wait3A] : memref<32x1024xf32, #tpu.memory_space<hbm>> -> memref<1x1024xf32, #tpu.memory_space<hbm>>
      %dma_wait3A_23 = tpu.memref_squeeze %dma_wait3A_22 : memref<1x1024xf32, #tpu.memory_space<hbm>> -> memref<1024xf32, #tpu.memory_space<hbm>>
      %dma_wait3A_24 = arith.constant 0 : i32
      %dma_wait3A_25 = tpu.memref_slice %arg4[%add3A, %dma_wait3A_24] : memref<32x1024xf32, #tpu.memory_space<hbm>> -> memref<1x1024xf32, #tpu.memory_space<hbm>>
      %dma_wait3A_26 = tpu.memref_squeeze %dma_wait3A_25 : memref<1x1024xf32, #tpu.memory_space<hbm>> -> memref<1024xf32, #tpu.memory_space<hbm>>
      tpu.wait_dma2 semaphore(%run_scoped3A : memref<!tpu.dma_semaphore, #tpu.memory_space<semaphore_mem>>) src(%arg7 : memref<1024xf32, #tpu.memory_space<vmem>>) dst(%dma_wait3A_26 : memref<1024xf32, #tpu.memory_space<hbm>>)
      tpu.yield
    }) : () -> ()
    return
  }
}

module attributes {stable_mosaic.version = 14 : i64} {
  func.func @_combine_body(%arg0: memref<32x1024xf32, #tpu.memory_space<vmem>>, %arg1: memref<32x1024xf32, #tpu.memory_space<vmem>>, %arg2: memref<1x1024xf32, #tpu.memory_space<vmem>>, %arg3: memref<1x1024xf32, #tpu.memory_space<vmem>>) attributes {dimension_semantics = [], scalar_prefetch = 0 : i64, scratch_operands = 0 : i64, tpu.core_type = #tpu.core_type<tc>} {
    %get3A = arith.constant 0 : index
    %get3A_0 = arith.constant 0 : index
    %get3A_1 = vector.load %arg0[%get3A, %get3A_0] : memref<32x1024xf32, #tpu.memory_space<vmem>>, vector<32x1024xf32>
    %reduce_sum3A = arith.constant dense<0.000000e+00> : vector<1024xf32>
    %reduce_sum3A_2 = vector.multi_reduction <add>, %get3A_1, %reduce_sum3A [0] : vector<32x1024xf32> to vector<1024xf32>
    %broadcast_in_dim3A = vector.shape_cast %reduce_sum3A_2 : vector<1024xf32> to vector<1x1024xf32>
    %get3A_3 = arith.constant 0 : index
    %get3A_4 = arith.constant 0 : index
    %get3A_5 = vector.load %arg1[%get3A_3, %get3A_4] : memref<32x1024xf32, #tpu.memory_space<vmem>>, vector<32x1024xf32>
    %reduce_sum3A_6 = arith.constant dense<0.000000e+00> : vector<1024xf32>
    %reduce_sum3A_7 = vector.multi_reduction <add>, %get3A_5, %reduce_sum3A_6 [0] : vector<32x1024xf32> to vector<1024xf32>
    %broadcast_in_dim3A_8 = vector.shape_cast %reduce_sum3A_7 : vector<1024xf32> to vector<1x1024xf32>
    %add3A = arith.addf %broadcast_in_dim3A, %broadcast_in_dim3A_8 : vector<1x1024xf32>
    %get3A_9 = arith.constant 0 : index
    %get3A_10 = arith.constant 0 : index
    %get3A_11 = vector.load %arg2[%get3A_9, %get3A_10] : memref<1x1024xf32, #tpu.memory_space<vmem>>, vector<1x1024xf32>
    %div3A = arith.divf %add3A, %get3A_11 : vector<1x1024xf32>
    %swap3A = arith.constant 0 : index
    %swap3A_12 = arith.constant 0 : index
    %swap3A_13 = vector.load %arg3[%swap3A, %swap3A_12] : memref<1x1024xf32, #tpu.memory_space<vmem>>, vector<1x1024xf32>
    tpu.vector_store %arg3[%swap3A, %swap3A_12], %div3A {strides = array<i32>} : memref<1x1024xf32, #tpu.memory_space<vmem>>, vector<1x1024xf32>,
    return
  }
}

module attributes {stable_mosaic.version = 14 : i64} {
  func.func @_mlp_body(%arg0: i32, %arg1: memref<8192x128xf32, #tpu.memory_space<vmem>>, %arg2: memref<128x64xf32, #tpu.memory_space<vmem>>, %arg3: memref<64x1xf32, #tpu.memory_space<vmem>>, %arg4: memref<64x1xf32, #tpu.memory_space<vmem>>, %arg5: memref<1x1xf32, #tpu.memory_space<vmem>>, %arg6: memref<8192xf32, #tpu.memory_space<vmem>>) attributes {dimension_semantics = [#tpu.dimension_semantics<parallel>], iteration_bounds = array<i64: 20>, scalar_prefetch = 0 : i64, scratch_operands = 0 : i64, tpu.core_type = #tpu.core_type<tc>, window_params = [{transform_indices = @transform_0, window_bounds = array<i64: 8192, 128>}, {pipeline_mode = #tpu.pipeline_mode<synchronous>, transform_indices = @transform_1, window_bounds = array<i64: 128, 64>}, {pipeline_mode = #tpu.pipeline_mode<synchronous>, transform_indices = @transform_2, window_bounds = array<i64: 64, 1>}, {pipeline_mode = #tpu.pipeline_mode<synchronous>, transform_indices = @transform_3, window_bounds = array<i64: 64, 1>}, {pipeline_mode = #tpu.pipeline_mode<synchronous>, transform_indices = @transform_4, window_bounds = array<i64: 1, 1>}, {transform_indices = @transform_5, window_bounds = array<i64: 8192>}]} {
    %get3A = arith.constant 0 : index
    %get3A_0 = arith.constant 0 : index
    %get3A_1 = vector.load %arg1[%get3A, %get3A_0] : memref<8192x128xf32, #tpu.memory_space<vmem>>, vector<8192x128xf32>
    %get3A_2 = arith.constant 0 : index
    %get3A_3 = arith.constant 0 : index
    %get3A_4 = vector.load %arg2[%get3A_2, %get3A_3] : memref<128x64xf32, #tpu.memory_space<vmem>>, vector<128x64xf32>
    %dot_general3A = arith.constant dense<0.000000e+00> : vector<64x8192xf32>
    %dot_general3A_5 = tpu.matmul %get3A_4, %get3A_1, %dot_general3A {dimension_numbers = #tpu.dot_dimension_numbers<[0], [1], [1], [0], [0, 1, 1, 0], [], []>, transpose_lhs_hint = false} : vector<128x64xf32>, vector<8192x128xf32>, vector<64x8192xf32> -> vector<64x8192xf32>
    %get3A_6 = arith.constant 0 : index
    %get3A_7 = arith.constant 0 : index
    %get3A_8 = vector.load %arg3[%get3A_6, %get3A_7] : memref<64x1xf32, #tpu.memory_space<vmem>>, vector<64x1xf32>
    %add3A = vector.broadcast %get3A_8 : vector<64x1xf32> to vector<64x8192xf32>
    %add3A_9 = arith.addf %dot_general3A_5, %add3A : vector<64x8192xf32>
    %logistic3A = arith.negf %add3A_9 : vector<64x8192xf32>
    %logistic3A_10 = math.exp %logistic3A : vector<64x8192xf32>
    %logistic3A_11 = arith.constant 1.000000e+00 : f32
    %logistic3A_12 = vector.broadcast %logistic3A_11 : f32 to vector<64x8192xf32>
    %logistic3A_13 = arith.addf %logistic3A_12, %logistic3A_10 : vector<64x8192xf32>
    %logistic3A_14 = arith.divf %logistic3A_12, %logistic3A_13 : vector<64x8192xf32>
    %mul3A = arith.mulf %add3A_9, %logistic3A_14 : vector<64x8192xf32>
    %get3A_15 = arith.constant 0 : index
    %get3A_16 = arith.constant 0 : index
    %get3A_17 = vector.load %arg4[%get3A_15, %get3A_16] : memref<64x1xf32, #tpu.memory_space<vmem>>, vector<64x1xf32>
    %dot_general3A_18 = arith.constant dense<0.000000e+00> : vector<1x8192xf32>
    %dot_general3A_19 = tpu.matmul %get3A_17, %mul3A, %dot_general3A_18 {dimension_numbers = #tpu.dot_dimension_numbers<[0], [0], [1], [1], [0, 1, 1, 1], [], []>, transpose_lhs_hint = false} : vector<64x1xf32>, vector<64x8192xf32>, vector<1x8192xf32> -> vector<1x8192xf32>
    %reshape3A = vector.shape_cast %dot_general3A_19 : vector<1x8192xf32> to vector<8192xf32>
    %get3A_20 = arith.constant 0 : index
    %get3A_21 = arith.constant 0 : index
    %get3A_22 = vector.load %arg5[%get3A_20, %get3A_21] : memref<1x1xf32, #tpu.memory_space<vmem>>, vector<1x1xf32>
    %get3A_23 = vector.extract %get3A_22[0, 0] : f32 from vector<1x1xf32>
    %add3A_24 = vector.broadcast %get3A_23 : f32 to vector<8192xf32>
    %add3A_25 = arith.addf %reshape3A, %add3A_24 : vector<8192xf32>
    %swap3A = arith.constant 0 : index
    %swap3A_26 = vector.load %arg6[%swap3A] : memref<8192xf32, #tpu.memory_space<vmem>>, vector<8192xf32>
    tpu.vector_store %arg6[%swap3A], %add3A_25 {strides = array<i32>} : memref<8192xf32, #tpu.memory_space<vmem>>, vector<8192xf32>,
    return
  }
  func.func @transform_0(%arg0: i32) -> (i32, i32) {
    %add3A = arith.constant 0 : i32
    %add3A_0 = arith.addi %arg0, %add3A : i32
    %c0_i32 = arith.constant 0 : i32
    %c0_i32_1 = arith.constant 0 : i32
    return %add3A_0, %c0_i32 : i32, i32
  }
  func.func @transform_1(%arg0: i32) -> (i32, i32) {
    %c0_i32 = arith.constant 0 : i32
    %c0_i32_0 = arith.constant 0 : i32
    %c0_i32_1 = arith.constant 0 : i32
    return %c0_i32, %c0_i32_0 : i32, i32
  }
  func.func @transform_2(%arg0: i32) -> (i32, i32) {
    %c0_i32 = arith.constant 0 : i32
    %c0_i32_0 = arith.constant 0 : i32
    %c0_i32_1 = arith.constant 0 : i32
    return %c0_i32, %c0_i32_0 : i32, i32
  }
  func.func @transform_3(%arg0: i32) -> (i32, i32) {
    %c0_i32 = arith.constant 0 : i32
    %c0_i32_0 = arith.constant 0 : i32
    %c0_i32_1 = arith.constant 0 : i32
    return %c0_i32, %c0_i32_0 : i32, i32
  }
  func.func @transform_4(%arg0: i32) -> (i32, i32) {
    %c0_i32 = arith.constant 0 : i32
    %c0_i32_0 = arith.constant 0 : i32
    %c0_i32_1 = arith.constant 0 : i32
    return %c0_i32, %c0_i32_0 : i32, i32
  }
  func.func @transform_5(%arg0: i32) -> i32 {
    %c0_i32 = arith.constant 0 : i32
    return %arg0 : i32
  }
}

module attributes {stable_mosaic.version = 14 : i64} {
  func.func @_mlp_body(%arg0: i32, %arg1: memref<8192x128xf32, #tpu.memory_space<vmem>>, %arg2: memref<128x64xf32, #tpu.memory_space<vmem>>, %arg3: memref<64x1xf32, #tpu.memory_space<vmem>>, %arg4: memref<64x1xf32, #tpu.memory_space<vmem>>, %arg5: memref<1x1xf32, #tpu.memory_space<vmem>>, %arg6: memref<8192xf32, #tpu.memory_space<vmem>>) attributes {dimension_semantics = [#tpu.dimension_semantics<parallel>], iteration_bounds = array<i64: 20>, scalar_prefetch = 0 : i64, scratch_operands = 0 : i64, tpu.core_type = #tpu.core_type<tc>, window_params = [{transform_indices = @transform_0, window_bounds = array<i64: 8192, 128>}, {pipeline_mode = #tpu.pipeline_mode<synchronous>, transform_indices = @transform_1, window_bounds = array<i64: 128, 64>}, {pipeline_mode = #tpu.pipeline_mode<synchronous>, transform_indices = @transform_2, window_bounds = array<i64: 64, 1>}, {pipeline_mode = #tpu.pipeline_mode<synchronous>, transform_indices = @transform_3, window_bounds = array<i64: 64, 1>}, {pipeline_mode = #tpu.pipeline_mode<synchronous>, transform_indices = @transform_4, window_bounds = array<i64: 1, 1>}, {transform_indices = @transform_5, window_bounds = array<i64: 8192>}]} {
    %get3A = arith.constant 0 : index
    %get3A_0 = arith.constant 0 : index
    %get3A_1 = vector.load %arg1[%get3A, %get3A_0] : memref<8192x128xf32, #tpu.memory_space<vmem>>, vector<8192x128xf32>
    %get3A_2 = arith.constant 0 : index
    %get3A_3 = arith.constant 0 : index
    %get3A_4 = vector.load %arg2[%get3A_2, %get3A_3] : memref<128x64xf32, #tpu.memory_space<vmem>>, vector<128x64xf32>
    %dot_general3A = arith.constant dense<0.000000e+00> : vector<64x8192xf32>
    %dot_general3A_5 = tpu.matmul %get3A_4, %get3A_1, %dot_general3A {dimension_numbers = #tpu.dot_dimension_numbers<[0], [1], [1], [0], [0, 1, 1, 0], [], []>, transpose_lhs_hint = false} : vector<128x64xf32>, vector<8192x128xf32>, vector<64x8192xf32> -> vector<64x8192xf32>
    %get3A_6 = arith.constant 0 : index
    %get3A_7 = arith.constant 0 : index
    %get3A_8 = vector.load %arg3[%get3A_6, %get3A_7] : memref<64x1xf32, #tpu.memory_space<vmem>>, vector<64x1xf32>
    %add3A = vector.broadcast %get3A_8 : vector<64x1xf32> to vector<64x8192xf32>
    %add3A_9 = arith.addf %dot_general3A_5, %add3A : vector<64x8192xf32>
    %logistic3A = arith.negf %add3A_9 : vector<64x8192xf32>
    %logistic3A_10 = math.exp %logistic3A : vector<64x8192xf32>
    %logistic3A_11 = arith.constant 1.000000e+00 : f32
    %logistic3A_12 = vector.broadcast %logistic3A_11 : f32 to vector<64x8192xf32>
    %logistic3A_13 = arith.addf %logistic3A_12, %logistic3A_10 : vector<64x8192xf32>
    %logistic3A_14 = arith.divf %logistic3A_12, %logistic3A_13 : vector<64x8192xf32>
    %mul3A = arith.mulf %add3A_9, %logistic3A_14 : vector<64x8192xf32>
    %get3A_15 = arith.constant 0 : index
    %get3A_16 = arith.constant 0 : index
    %get3A_17 = vector.load %arg4[%get3A_15, %get3A_16] : memref<64x1xf32, #tpu.memory_space<vmem>>, vector<64x1xf32>
    %dot_general3A_18 = arith.constant dense<0.000000e+00> : vector<1x8192xf32>
    %dot_general3A_19 = tpu.matmul %get3A_17, %mul3A, %dot_general3A_18 {dimension_numbers = #tpu.dot_dimension_numbers<[0], [0], [1], [1], [0, 1, 1, 1], [], []>, transpose_lhs_hint = false} : vector<64x1xf32>, vector<64x8192xf32>, vector<1x8192xf32> -> vector<1x8192xf32>
    %reshape3A = vector.shape_cast %dot_general3A_19 : vector<1x8192xf32> to vector<8192xf32>
    %get3A_20 = arith.constant 0 : index
    %get3A_21 = arith.constant 0 : index
    %get3A_22 = vector.load %arg5[%get3A_20, %get3A_21] : memref<1x1xf32, #tpu.memory_space<vmem>>, vector<1x1xf32>
    %get3A_23 = vector.extract %get3A_22[0, 0] : f32 from vector<1x1xf32>
    %add3A_24 = vector.broadcast %get3A_23 : f32 to vector<8192xf32>
    %add3A_25 = arith.addf %reshape3A, %add3A_24 : vector<8192xf32>
    %swap3A = arith.constant 0 : index
    %swap3A_26 = vector.load %arg6[%swap3A] : memref<8192xf32, #tpu.memory_space<vmem>>, vector<8192xf32>
    tpu.vector_store %arg6[%swap3A], %add3A_25 {strides = array<i32>} : memref<8192xf32, #tpu.memory_space<vmem>>, vector<8192xf32>,
    return
  }
  func.func @transform_0(%arg0: i32) -> (i32, i32) {
    %add3A = arith.constant 20 : i32
    %add3A_0 = arith.addi %arg0, %add3A : i32
    %c0_i32 = arith.constant 0 : i32
    %c0_i32_1 = arith.constant 0 : i32
    return %add3A_0, %c0_i32 : i32, i32
  }
  func.func @transform_1(%arg0: i32) -> (i32, i32) {
    %c0_i32 = arith.constant 0 : i32
    %c0_i32_0 = arith.constant 0 : i32
    %c0_i32_1 = arith.constant 0 : i32
    return %c0_i32, %c0_i32_0 : i32, i32
  }
  func.func @transform_2(%arg0: i32) -> (i32, i32) {
    %c0_i32 = arith.constant 0 : i32
    %c0_i32_0 = arith.constant 0 : i32
    %c0_i32_1 = arith.constant 0 : i32
    return %c0_i32, %c0_i32_0 : i32, i32
  }
  func.func @transform_3(%arg0: i32) -> (i32, i32) {
    %c0_i32 = arith.constant 0 : i32
    %c0_i32_0 = arith.constant 0 : i32
    %c0_i32_1 = arith.constant 0 : i32
    return %c0_i32, %c0_i32_0 : i32, i32
  }
  func.func @transform_4(%arg0: i32) -> (i32, i32) {
    %c0_i32 = arith.constant 0 : i32
    %c0_i32_0 = arith.constant 0 : i32
    %c0_i32_1 = arith.constant 0 : i32
    return %c0_i32, %c0_i32_0 : i32, i32
  }
  func.func @transform_5(%arg0: i32) -> i32 {
    %c0_i32 = arith.constant 0 : i32
    return %arg0 : i32
  }
}

</mosaic_0001>

<sc_bundles>
// kernel: kernel.10.cloned.1.call-start
scs
__scs_entry_jumppad:
0x0: {  	(pc) =	sbr.rel $0x88, $3  }
0x1: {  	(tag) =	ssettag $0x0;
	lr =	simm.s32 $0x1  }
0x2: {  	[smem:$0x3F9A] =	sst lr;
	_ =	strace $0xD0000000  }
0x3: {  	_ = 	snop  }
0x4: {  	_ = 	snop  }
0x5: {  	_ = 	snop  }
0x6: {  	_ = 	snop  }
0x7: {  	_ = 	snop  }
__scs_overlays_trampoline_lowered:
0x8: {  	[smem:$0x3FA9] =	sst s0  }
0x9: {  	[smem:$0x3FAA] =	sst s1  }
0xa: {  	[smem:$0x3FAB] =	sst s2  }
0xb: {  	[smem:$0x3FAC] =	sst s3  }
0xc: {  	[smem:$0x3FAD] =	sst s4  }
0xd: {  	[smem:$0x3FAE] =	sst s5  }
0xe: {  	[smem:$0x3FAF] =	sst s6  }
0xf: {  	[smem:$0x3FB0] =	sst s7  }
0x10: {  	[smem:$0x3FB1] =	sst s8  }
0x11: {  	[smem:$0x3FB2] =	sst s9;
	s0 =	simm.s32 @!p0 $0x0  }
0x12: {  	s1 =	sld [smem:$0x3F98];
	s0 =	simm.s32 @p0 $0x1  }
0x13: {  	[smem:$0x3FB3] =	sst s0;
	s0 =	simm.s32 @!p1 $0x0  }
0x14: {  	s2 =	sld [smem:$0x3F97];
	s0 =	simm.s32 @p1 $0x1  }
0x15: {  	[smem:$0x3FB4] =	sst s0;
	s0 =	simm.s32 @!p2 $0x0  }
0x16: {  	s3 =	sld [smem:$0x3FDB];
	s0 =	simm.s32 @p2 $0x1  }
0x17: {  	s4 =	simm.s32 $0x1BF5;
	[smem:$0x3FB6] =	sst s0  }
0x18: {  	s0 =	sld [smem:$0x3F99];
	_ =	swait.ge [sflag:s4], $0x0  }
0x19: {  	s7 =	sld [smem:$0x3F9A]  }
0x1a: {  	s8 =	sadd.s32 $0xFFFFE003, lr  }
0x1b: {  	s9 =	sadd.s32 $0xFFFFFEF7, lr;
	s5 =	simm.s32 $0xFFFFFFFF;
	p2 =	slt.u32 s8, $0xFFFFF086  }
0x1c: {  	p1 =	slt.u32 s9, $0xF7A;
	s5 =	simm.s32 @!p2 $0x0  }
0x1d: {  	s5 =	simm.s32 @p1 $0x1;
	p0 =	seq.s32 s7, s2  }
0x1e: {  	s7 =	smul.u32 @!p0 $0xF7A, s2;
	p2 =	seq.s32 @!p0 s5, $0x0  }
0x1f: {  	s9 =	smul.u32 $0xF7A, s1;
	s8 =	simm.s32 @!p0 $0x1BF5;
	p2 =	por !p2, p0  }
0x20: {  	[sflag:s8] =	ssyncset.s32 @!p0 $0xFFFFF086;
	s6 =	sadd.s32 @!p0 s3, s7;
	s7 =	simm.s32 @!p0 $0x108  }
0x21: {  	s3 =	sadd.s32 s3, s9;
	s6 =	sadd.s32 @!p0 $0x88, s6;
	s7 =	simm.s32 @p2 $0x1082  }
0x22: {  	[simem:s7], [sflag:s8] =	dma.local @!p0 [hbm:s6], $0xF7A  }
0x23: {  	s9 =	sor.u32 $0xD0000000, s2;
	s6 =	simm.s32 $0x108;
	_ =	swait.ge @!p0 [sflag:s8], $0x0  }
0x24: {  	s3 =	sadd.s32 $0x88, s3;
	s6 =	simm.s32 @!p1 $0x1082;
	[sflag:s4] =	ssyncset.s32 $0xFFFFF086  }
0x25: {  	[simem:s6], [sflag:s4] =	dma.local [hbm:s3], $0xF7A  }
0x26: {  	[smem:$0x3F9A] =	sst s1;
	(tag) =	ssettag s2;
	_ =	strace s9  }
0x27: {  	s1 =	sld [smem:$0x3FAA]  }
0x28: {  	s2 =	sld [smem:$0x3FAB]  }
0x29: {  	s4 =	sld [smem:$0x3FAD]  }
0x2a: {  	p0 =	seq.s32 s5, $0x0;
	s5 =	sld [smem:$0x3FAE]  }
0x2b: {  	s6 =	sld [smem:$0x3FAF]  }
0x2c: {  	s7 =	sld [smem:$0x3FB0]  }
0x2d: {  	s3 =	simm.s32 $0x108;
	s8 =	sld [smem:$0x3FB1]  }
0x2e: {  	s3 =	simm.s32 @!p0 $0x1082;
	s9 =	sld [smem:$0x3FB2]  }
0x2f: {  	lr =	sadd.s32 s0, s3;
	s0 =	sld [smem:$0x3FA9]  }
0x30: {  	s3 =	sld [smem:$0x3FAC]  }
0x31: {  	[smem:$0x3FB5] =	sst s10  }
0x32: {  	s10 =	sld [smem:$0x3FB3];
	_ =	sdelay $0x3  }
0x33: {  	p0 =	seq.s32 s10, $0x1;
	s10 =	sld [smem:$0x3FB5];
	_ =	sdelay $0x3  }
0x34: {  	[smem:$0x3FB5] =	sst s10  }
0x35: {  	s10 =	sld [smem:$0x3FB4];
	_ =	sdelay $0x3  }
0x36: {  	p1 =	seq.s32 s10, $0x1;
	s10 =	sld [smem:$0x3FB5];
	_ =	sdelay $0x3  }
0x37: {  	[smem:$0x3FB5] =	sst s10  }
0x38: {  	s10 =	sld [smem:$0x3FB6]  }
0x39: {  	_ = 	snop;
	(pc) =	sbr.ind lr, $3  }
0x3a: {  	_ = 	snop  }
0x3b: {  	_ = 	snop  }
0x3c: {  	p2 =	seq.s32 s10, $0x1;
	s10 =	sld [smem:$0x3FB5]  }
0x3d: {  	_ =	shalt  }
0x3e: {  	_ =	shalt  }
0x3f: {  	_ =	shalt  }
0x40: {  	_ =	shalt  }
0x41: {  	_ =	shalt  }
0x42: {  	_ =	shalt  }
0x43: {  	_ =	shalt  }
0x44: {  	_ =	shalt  }
0x45: {  	_ =	shalt  }
0x46: {  	_ =	shalt  }
0x47: {  	_ =	shalt  }
0x48: {  	_ =	shalt  }
0x49: {  	_ =	shalt  }
0x4a: {  	_ =	shalt  }
0x4b: {  	_ =	shalt  }
0x4c: {  	_ =	shalt  }
0x4d: {  	_ =	shalt  }
0x4e: {  	_ =	shalt  }
0x4f: {  	_ =	shalt  }
0x50: {  	_ =	shalt  }
0x51: {  	_ =	shalt  }
0x52: {  	_ =	shalt  }
0x53: {  	_ =	shalt  }
0x54: {  	_ =	shalt  }
0x55: {  	_ =	shalt  }
0x56: {  	_ =	shalt  }
0x57: {  	_ =	shalt  }
0x58: {  	_ =	shalt  }
0x59: {  	_ =	shalt  }
0x5a: {  	_ =	shalt  }
0x5b: {  	_ =	shalt  }
0x5c: {  	_ =	shalt  }
0x5d: {  	_ =	shalt  }
0x5e: {  	_ =	shalt  }
0x5f: {  	_ =	shalt  }
0x60: {  	_ =	shalt  }
0x61: {  	_ =	shalt  }
0x62: {  	_ =	shalt  }
0x63: {  	_ =	shalt  }
0x64: {  	_ =	shalt  }
0x65: {  	_ =	shalt  }
0x66: {  	_ =	shalt  }
0x67: {  	_ =	shalt  }
0x68: {  	_ =	shalt  }
0x69: {  	_ =	shalt  }
0x6a: {  	_ =	shalt  }
0x6b: {  	_ =	shalt  }
0x6c: {  	_ =	shalt  }
0x6d: {  	_ =	shalt  }
0x6e: {  	_ =	shalt  }
0x6f: {  	_ =	shalt  }
0x70: {  	_ =	shalt  }
0x71: {  	_ =	shalt  }
0x72: {  	_ =	shalt  }
0x73: {  	_ =	shalt  }
0x74: {  	_ =	shalt  }
0x75: {  	_ =	shalt  }
0x76: {  	_ =	shalt  }
0x77: {  	_ =	shalt  }
0x78: {  	_ =	shalt  }
0x79: {  	_ =	shalt  }
0x7a: {  	_ =	shalt  }
0x7b: {  	_ =	shalt  }
0x7c: {  	_ =	shalt  }
0x7d: {  	_ =	shalt  }
0x7e: {  	_ =	shalt  }
0x7f: {  	_ =	shalt  }
0x80: {  	_ =	shalt  }
0x81: {  	_ =	shalt  }
0x82: {  	_ =	shalt  }
0x83: {  	_ =	shalt  }
0x84: {  	_ =	shalt  }
0x85: {  	_ =	shalt  }
0x86: {  	_ =	shalt  }
0x87: {  	_ =	shalt  }
.Lfunc_end0:
.L_simem_size_0:
called_computation.1_lowered:
.L_overlay_start_0:
0x88: {  	s2 =	sld [smem:$0x3FD9]  }
0x89: {  	s3 =	sld [smem:$0x3FFE];
	_ =	sdelay $0x1  }
0x8a: {  	s1 =	srdreg.scid  }
0x8b: {  	s0 =	sand.u32 $0x1, s1  }
0x8c: {  	s17 =	sshll.u32 s0, $0xA;
	s2 =	sadd.s32 s3, s2  }
0x8d: {  	s2 =	sadd.s32 s2, s17  }
0x8e: {  	[smem:$0x3FC1] =	sst s2  }
0x8f: {  	_ = 	snop  }
0x90: {  	s18 =	sld [smem:$0x3FC8];
	(tm) =	ssettm $0x1  }
0x91: {  	s19 =	sld [smem:$0x3FFB];
	_ =	sdelay $0x3  }
0x92: {  	_ =	strace s19  }
0x93: {  	s2 =	sld [smem:$0x3FFC];
	_ =	sdelay $0x3  }
0x94: {  	_ =	strace s2  }
0x95: {  	s2 =	sld [smem:$0x3FFD];
	_ =	sdelay $0x3  }
0x96: {  	_ =	strace s2  }
0x97: {  	_ =	strace $0x8FFFFFFF  }
0x98: {  	s20 =	sld [smem:$0x3FDB];
	_ =	sdelay $0x1  }
0x99: {  	s4 =	simm.s32 $_scs_section_size  }
0x9a: {  	s5 =	simm.s32 $_size__tile_overlayer_lowered;
	s6 =	simm.s32 $_tile_overlayer_lowered  }
0x9b: {  	s7 =	simm.s32 $0x1BFF;
	s21 =	sshll.u32 s6, $0x1;
	s4 =	sadd.s32 s4, s20  }
0x9c: {  	s22 =	simm.s32 $0x0;
	s5 =	sshll.u32 s5, $0x1;
	s6 =	sadd.s32 s21, s4  }
0x9d: {  	[timem:s22], [sflag:s7] =	dma.local [hbm:s6], s5  }
0x9e: {  	_ =	swait.ge [sflag:s7], s5  }
0x9f: {  	s5 =	ssub.s32 $0x0, s5;
	[sflag:s7] =	ssyncset.done $0x0  }
0xa0: {  	[sflag:s7] =	ssyncadd.s32 s5;
	_ =	sdelay $0x1  }
0xa1: {  	s23 =	simm.s32 $0x1B8B  }
0xa2: {  	_ =	swait.ge [sflag:s23], $0x1  }
0xa3: {  	[sflag:s23] =	ssyncset.done $0x0  }
0xa4: {  	[sflag:s23] =	ssyncadd.s32 $0xFFFFFFFF  }
0xa5: {  	s5 =	sld [smem:$0x0]  }
0xa6: {  	s6 =	sand.u32 $0xFFFFFFFE, s1  }
0xa7: {  	p0 =	sne.s32 s1, s6  }
0xa8: {  	s6 =	sshll.u32 @p0 s6, $0xE  }
0xa9: {  	s6 =	sadd.s32 @p0 $0x11B8D, s6;
	s7 =	sshll.u32 @p0 s5, $0x11  }
0xaa: {  	s6 =	sor.u32 @p0 s7, s6  }
0xab: {  	[sflag:s6] =	ssyncadd.remote.s32 @p0 $0x1;
	_ =	sdelay $0x1  }
0xac: {  	s6 =	simm.s32 @p0 $0x1B8D  }
0xad: {  	_ =	swait.eq @p0 [sflag:s6], $0x1  }
0xae: {  	[sflag:s6] =	ssyncadd.s32 @p0 $0xFFFFFFFF  }
0xaf: {  	s7 =	sshll.u32 @!p0 s1, $0xE  }
0xb0: {  	s7 =	sor.u32 @!p0 $0x4000, s7;
	s6 =	simm.s32 @!p0 $0x1B8D  }
0xb1: {  	s5 =	sshll.u32 @!p0 s5, $0x11;
	s7 =	sadd.s32 @!p0 $0x11B8D, s7;
	_ =	swait.eq @!p0 [sflag:s6], $0x1  }
0xb2: {  	s5 =	sor.u32 @!p0 s5, s7;
	[sflag:s6] =	ssyncadd.s32 @!p0 $0xFFFFFFFF  }
0xb3: {  	s25 =	simm.s32 $0x1B8E;
	s24 =	sld [smem:$0x3FFE];
	[sflag:s5] =	ssyncadd.remote.s32 @!p0 $0x1  }
0xb4: {  	s26 =	simm.s32 $execute0_lowered;
	[smem:$0x3FD2] =	sst s25  }
0xb5: {  	s6 =	sshll.u32 s26, $0x1;
	_ =	strace $0x80000049;
	[dreg:$0x1] =	wrdreg $0xFFFFFFFF  }
0xb6: {  	s28 =	simm.s32 $_size_execute0_lowered;
	s4 =	sadd.s32 s4, s6;
	[dreg:$0x0] =	wrdreg $0x0  }
0xb7: {  	s6 =	sshll.u32 s28, $0x1;
	[dreg:$0x2] =	wrdreg s4  }
0xb8: {  	[dreg:$0x3] =	wrdreg s6  }
0xb9: {  	[dreg:$0x4] =	wrdreg $0xC0  }
0xba: {  	_ =	task [dreg:s22], $0x5FFFF  }
0xbb: {  	[dreg:$0x1] =	wrdreg $0xFFFFFFFF  }
0xbc: {  	[dreg:$0x0] =	wrdreg $0x60  }
0xbd: {  	[dreg:$0x2] =	wrdreg s24  }
0xbe: {  	[dreg:$0x3] =	wrdreg s18  }
0xbf: {  	[dreg:$0x4] =	wrdreg $0xA  }
0xc0: {  	_ =	task.clear_ibuf [dreg:s22], $0x5FFFF;
	_ =	strace $0x90000049  }
0xc1: {  	s29 =	simm.s32 $0xA;
	_ =	strace $0x8000004B  }
0xc2: {  	_ =	swait.ge [sflag:s29], $0x1  }
0xc3: {  	[sflag:s29] =	ssyncadd.s32 $0xFFFFFFFF  }
0xc4: {  	_ =	strace $0x9000004B  }
0xc5: {  	_ =	sfence  }
0xc6: {  	s30 =	sld [smem:$0x0];
	_ =	sdelay $0x2  }
0xc7: {  	s31 =	sshll.u32 s1, $0xD;
	s1 =	sshrl.u32 s1, $0x2  }
0xc8: {  	s4 =	sand.u32 $0x4000, s31;
	s1 =	sadd.s32 s1, s30  }
0xc9: {  	s0 =	sor.u32 s4, s0;
	s1 =	sshll.u32 s1, $0x11  }
0xca: {  	s0 =	sor.u32 s1, s0  }
0xcb: {  	s0 =	sadd.s32 $0x8F2B, s0  }
0xcc: {  	[sflag:s0] =	ssyncadd.remote.s32 $0x1  }
0xcd: {  	_ =	sfence.sel $0xFFFF  }
0xce: {  	[dreg:$0x0] =	wrdreg $0xFFFFFFFF;
	(pc) =	sbr.abs _section_cstart, $3  }
0xcf: {  	[dreg:$0x1] =	wrdreg $0xFFFFFFFF  }
0xd0: {  	_ =	task.clear_ibuf [dreg:s22], $0x2FFFF;
	_ =	strace $0x9FFFFFFF  }
0xd1: {  	(tm) =	ssettm $0x7FFFFFFF  }
tec
execute0_lowered:
.L_overlay_start_1:
0x0: {  	(tag) =	ssettag $0x1  }
0x1: {  	s1 =	srdreg.scid;
	s4 =	rddreg [dreg:$0x0]  }
0x2: {  	s0 =	stileid.u32;
	s6 =	rddreg [dreg:$0x1]  }
0x3: {  	s2 =	simm.s32 $0x0;
	s10 =	simm.s32 $0x80;
	s11 =	simm.s32 $0x400  }
0x4: {  	v0 =	vimm.s32 $0x65432100;
	s3 =	sand.u32 $0x1, s1;
	s29 =	sshll.u32 s0, $0x1;
	[smem:$0x7FF] =	sst s2  }
0x5: {  	v1 =	vimm.s32 $0xEDCBA987;
	v2 =	vimm.s32 $0xFFEDCBA9;
	v3 =	vimm.s32 $0x87654321;
	s12 =	simm.s32 $0x0;
	s1 =	rddreg [dreg:$0x2];
	s5 =	sor.u32 s3, s29  }
0x6: {  	s8 =	sshll.u32 s0, $0x8;
	v1 =	vunpack.c.l.s4.s8 v1;
	v2 =	vunpack.c.l.s4.s8 v2;
	v3 =	vunpack.c.l.s4.s8 v3;
	_ =	strace $0x8000004A;
	s7 =	smul.u32 $0x1310, s5  }
0x7: {  	v0 =	vunpack.c.l.s4.s8 v0;
	s8 =	sand.u32 $0xC00, s8;
	s3 =	ssub.s32 $0x2, s3;
	s5 =	sshll.u32 s5, $0x4  }
0x8: {  	s30 =	sshrl.u32 s3, $0x1;
	v1 =	vunpack.c.0.s8.s32 v1;
	v2 =	vunpack.c.0.s8.s32 v2;
	v3 =	vunpack.c.0.s8.s32 v3;
	s5 =	sand.u32 $0x70, s5;
	s7 =	sshrl.u32 s7, $0x3  }
0x9: {  	v4 =	vunpack.c.0.s8.s32 v0;
	s31 =	ssub.s32 s3, s30;
	s9 =	sadd.s32 s7, s4;
	s4 =	sadd.s32 s8, s4  }
0xa: {  	v5 =	vand.u32 $0xF, v1;
	v0 =	vcombine.low v3, v2;
	s6 =	sadd.s32 s6, s7;
	s7 =	simm.s32 $0x1;
	s8 =	simm.s32 $0x1380  }
0xb: {  	vm0 =	vcmask $0x3F3C;
	v2 =	vcombine.low v4, v5;
	v4 =	vlaneseq.u32;
	s3 =	sadd.s32 $0x5000, s6;
	s5 =	sadd.s32 s5, s4;
	s4 =	sadd.s32 $0x7200, s9  }
0xc: {  	v1 =	vimm.f32 $0.0e+00;
	s6 =	smax.u32 s31, $0x1;
	s9 =	simm.s32 $0x2700;
	v3 =	vand.u32 $0xF, v0;
	v4 =	vor.u32 $0x80000000, v4;
	s5 =	sadd.s32 $0xC000, s5  }
.LBB2_1:
0xd: {  	[tilespmem:s2], [sflag:$0x1] =	stream.linear.gather [hbm4b:s3+s2], $0x1310, $0x38;
	[tilespmem:$0x2B00] =	vst v63  }
0xe: {  	_ =	swait.ge [sflag:s7], $0x1310  }
0xf: {  	[sflag:s7] =	ssyncset.done $0x0  }
0x10: {  	[sflag:s7] =	ssyncadd.s32 $0xFFFFECF0  }
0x11: {  	[tilespmem:s8], [sflag:$0x1] =	stream.linear.gather [hbm4b:s4+s2], $0x1310, $0x38;
	[tilespmem:$0x2B00] =	vst v63  }
0x12: {  	_ =	swait.ge [sflag:s7], $0x1310  }
0x13: {  	[sflag:s7] =	ssyncset.done $0x0  }
0x14: {  	[sflag:s7] =	ssyncadd.s32 $0xFFFFECF0  }
0x15: {  	[tilespmem:$0x2700] =	vst v1  }
0x16: {  	[tilespmem:$0x2710] =	vst v1  }
0x17: {  	[tilespmem:$0x2720] =	vst v1  }
0x18: {  	[tilespmem:$0x2730] =	vst v1  }
0x19: {  	[tilespmem:$0x2740] =	vst v1  }
0x1a: {  	[tilespmem:$0x2750] =	vst v1  }
0x1b: {  	[tilespmem:$0x2760] =	vst v1  }
0x1c: {  	[tilespmem:$0x2770] =	vst v1  }
0x1d: {  	[tilespmem:$0x2780] =	vst v1  }
0x1e: {  	[tilespmem:$0x2790] =	vst v1  }
0x1f: {  	[tilespmem:$0x27A0] =	vst v1  }
0x20: {  	[tilespmem:$0x27B0] =	vst v1  }
0x21: {  	[tilespmem:$0x27C0] =	vst v1  }
0x22: {  	[tilespmem:$0x27D0] =	vst v1  }
0x23: {  	[tilespmem:$0x27E0] =	vst v1  }
0x24: {  	[tilespmem:$0x27F0] =	vst v1  }
0x25: {  	[tilespmem:$0x2800] =	vst v1  }
0x26: {  	[tilespmem:$0x2810] =	vst v1  }
0x27: {  	[tilespmem:$0x2820] =	vst v1  }
0x28: {  	[tilespmem:$0x2830] =	vst v1  }
0x29: {  	[tilespmem:$0x2840] =	vst v1  }
0x2a: {  	[tilespmem:$0x2850] =	vst v1  }
0x2b: {  	[tilespmem:$0x2860] =	vst v1  }
0x2c: {  	[tilespmem:$0x2870] =	vst v1  }
0x2d: {  	[tilespmem:$0x2880] =	vst v1  }
0x2e: {  	[tilespmem:$0x2890] =	vst v1  }
0x2f: {  	[tilespmem:$0x28A0] =	vst v1  }
0x30: {  	[tilespmem:$0x28B0] =	vst v1  }
0x31: {  	[tilespmem:$0x28C0] =	vst v1  }
0x32: {  	[tilespmem:$0x28D0] =	vst v1  }
0x33: {  	[tilespmem:$0x28E0] =	vst v1  }
0x34: {  	[tilespmem:$0x28F0] =	vst v1  }
0x35: {  	[tilespmem:$0x2900] =	vst v1  }
0x36: {  	[tilespmem:$0x2910] =	vst v1  }
0x37: {  	[tilespmem:$0x2920] =	vst v1  }
0x38: {  	[tilespmem:$0x2930] =	vst v1  }
0x39: {  	[tilespmem:$0x2940] =	vst v1  }
0x3a: {  	[tilespmem:$0x2950] =	vst v1  }
0x3b: {  	[tilespmem:$0x2960] =	vst v1  }
0x3c: {  	[tilespmem:$0x2970] =	vst v1  }
0x3d: {  	[tilespmem:$0x2980] =	vst v1  }
0x3e: {  	[tilespmem:$0x2990] =	vst v1  }
0x3f: {  	[tilespmem:$0x29A0] =	vst v1  }
0x40: {  	[tilespmem:$0x29B0] =	vst v1  }
0x41: {  	[tilespmem:$0x29C0] =	vst v1  }
0x42: {  	[tilespmem:$0x29D0] =	vst v1  }
0x43: {  	[tilespmem:$0x29E0] =	vst v1  }
0x44: {  	[tilespmem:$0x29F0] =	vst v1  }
0x45: {  	[tilespmem:$0x2A00] =	vst v1  }
0x46: {  	[tilespmem:$0x2A10] =	vst v1  }
0x47: {  	[tilespmem:$0x2A20] =	vst v1  }
0x48: {  	[tilespmem:$0x2A30] =	vst v1  }
0x49: {  	[tilespmem:$0x2A40] =	vst v1  }
0x4a: {  	[tilespmem:$0x2A50] =	vst v1  }
0x4b: {  	[tilespmem:$0x2A60] =	vst v1  }
0x4c: {  	[tilespmem:$0x2A70] =	vst v1  }
0x4d: {  	[tilespmem:$0x2A80] =	vst v1  }
0x4e: {  	[tilespmem:$0x2A90] =	vst v1  }
0x4f: {  	[tilespmem:$0x2AA0] =	vst v1  }
0x50: {  	[tilespmem:$0x2AB0] =	vst v1  }
0x51: {  	[tilespmem:$0x2AC0] =	vst v1  }
0x52: {  	[tilespmem:$0x2AD0] =	vst v1  }
0x53: {  	[tilespmem:$0x2AE0] =	vst v1  }
0x54: {  	s13 =	simm.s32 $0x20;
	[tilespmem:$0x2AF0] =	vst v1  }
0x55: {  	v5 =	vld [tilespmem:s13+$0xFFFFFFE0];
	_ =	sdelay $0x1  }
0x56: {  	s14 =	simm.s32 $0x13A0  }
0x57: {  	v6 =	vld [tilespmem:s14+$0xFFFFFFE0];
	_ =	sdelay $0x1  }
0x58: {  	v7 =	vperm.xlane v5, v2;
	_ =	sdelay $0x1  }
0x59: {  	vm1 =	veq.s32 v5, v7  }
0x5a: {  	(xrf2) =	vadd.scan.msk.f32 $0xffff, v6;
	v7 =	vsel vm1, $0x80000000, v4  }
0x5b: {  	(xrf0) =	vmax.scan.msk.u32 $0xffff, v7;
	_ =	sdelay $0x5  }
0x5c: {  	v7, _, _ =	vpop (xrf0)  }
0x5d: {  	v6 =	vperm.xlane v5, v3;
	v8 =	vadd.s32 $0x7FFFFFFF, v7;
	_ =	sdelay $0x1  }
0x5e: {  	vm1 =	vne.s32 v5, v6;
	vm2 =	vgt.s32 v8, $0x0  }
0x5f: {  	vm1 =	vmor vm1, vm0;
	v6 =	vnsel vm2, $0x0, v8;
	v8, _, _ =	vpop (xrf2)  }
0x60: {  	v6 =	vperm.xlane v8, v6  }
0x61: {  	vm2 =	veq.s32 v7, $0x80000000  }
0x62: {  	v6 =	vsel vm2, $0x0, v6  }
0x63: {  	v6 =	vsub.f32 v8, v6;
	_ =	sdelay $0x1  }
0x64: {  	[tilespmem:v5+s9+$0x0] =	vst.idx.add.f32.msk vm1, v6  }
0x65: {  	v5 =	vld [tilespmem:s13+$0xFFFFFFF0];
	_ =	sdelay $0x2  }
0x66: {  	v6 =	vld [tilespmem:s14+$0xFFFFFFF0];
	_ =	sdelay $0x1  }
0x67: {  	v7 =	vperm.xlane v5, v2;
	_ =	sdelay $0x1  }
0x68: {  	vm1 =	veq.s32 v5, v7  }
0x69: {  	(xrf2) =	vadd.scan.msk.f32 $0xffff, v6;
	v7 =	vsel vm1, $0x80000000, v4  }
0x6a: {  	(xrf0) =	vmax.scan.msk.u32 $0xffff, v7;
	_ =	sdelay $0x5  }
0x6b: {  	v7, _, _ =	vpop (xrf0)  }
0x6c: {  	v6 =	vperm.xlane v5, v3;
	v8 =	vadd.s32 $0x7FFFFFFF, v7;
	_ =	sdelay $0x1  }
0x6d: {  	vm1 =	vne.s32 v5, v6;
	vm2 =	vgt.s32 v8, $0x0  }
0x6e: {  	vm1 =	vmor vm1, vm0;
	v6 =	vnsel vm2, $0x0, v8;
	v8, _, _ =	vpop (xrf2)  }
0x6f: {  	v6 =	vperm.xlane v8, v6  }
0x70: {  	vm2 =	veq.s32 v7, $0x80000000  }
0x71: {  	v6 =	vsel vm2, $0x0, v6  }
0x72: {  	v6 =	vsub.f32 v8, v6;
	_ =	sdelay $0x1  }
0x73: {  	[tilespmem:v5+s9+$0x0] =	vst.idx.add.f32.msk vm1, v6  }
0x74: {  	v5 =	vld [tilespmem:s13+$0x0];
	_ =	sdelay $0x2  }
0x75: {  	v6 =	vld [tilespmem:s14+$0x0];
	_ =	sdelay $0x1  }
0x76: {  	v7 =	vperm.xlane v5, v2;
	_ =	sdelay $0x1  }
0x77: {  	vm1 =	veq.s32 v5, v7  }
0x78: {  	(xrf2) =	vadd.scan.msk.f32 $0xffff, v6;
	v7 =	vsel vm1, $0x80000000, v4  }
0x79: {  	(xrf0) =	vmax.scan.msk.u32 $0xffff, v7;
	_ =	sdelay $0x5  }
0x7a: {  	v7, _, _ =	vpop (xrf0)  }
0x7b: {  	v6 =	vperm.xlane v5, v3;
	v8 =	vadd.s32 $0x7FFFFFFF, v7;
	_ =	sdelay $0x1  }
0x7c: {  	vm1 =	vne.s32 v5, v6;
	vm2 =	vgt.s32 v8, $0x0  }
0x7d: {  	vm1 =	vmor vm1, vm0;
	v6 =	vnsel vm2, $0x0, v8;
	v8, _, _ =	vpop (xrf2)  }
0x7e: {  	v6 =	vperm.xlane v8, v6  }
0x7f: {  	vm2 =	veq.s32 v7, $0x80000000  }
0x80: {  	v6 =	vsel vm2, $0x0, v6  }
0x81: {  	v6 =	vsub.f32 v8, v6;
	_ =	sdelay $0x1  }
0x82: {  	[tilespmem:v5+s9+$0x0] =	vst.idx.add.f32.msk vm1, v6  }
0x83: {  	v5 =	vld [tilespmem:s13+$0x10];
	_ =	sdelay $0x2  }
0x84: {  	v6 =	vld [tilespmem:s14+$0x10];
	_ =	sdelay $0x1  }
0x85: {  	v7 =	vperm.xlane v5, v2;
	_ =	sdelay $0x1  }
0x86: {  	vm1 =	veq.s32 v5, v7  }
0x87: {  	(xrf2) =	vadd.scan.msk.f32 $0xffff, v6;
	v7 =	vsel vm1, $0x80000000, v4  }
0x88: {  	(xrf0) =	vmax.scan.msk.u32 $0xffff, v7;
	_ =	sdelay $0x5  }
0x89: {  	v6, _, _ =	vpop (xrf0)  }
0x8a: {  	v7 =	vadd.s32 $0x7FFFFFFF, v6  }
0x8b: {  	vm1 =	vgt.s32 v7, $0x0  }
0x8c: {  	v9 =	vperm.xlane v5, v3;
	v8, _, _ =	vpop (xrf2);
	v7 =	vnsel vm1, $0x0, v7  }
0x8d: {  	v7 =	vperm.xlane v8, v7  }
0x8e: {  	vm2 =	vne.s32 v5, v9;
	vm1 =	veq.s32 v6, $0x80000000  }
0x8f: {  	v6 =	vsel vm1, $0x0, v7;
	vm1 =	vmor vm2, vm0;
	_ =	sdelay $0x3  }
0x90: {  	s15 =	simm.s32 $0x0;
	v6 =	vsub.f32 v8, v6  }
.LBB2_2:
0x91: {  	_ = 	snop  }
0x92: {  	s15 =	sadd.s32 $0x4, s15;
	s14 =	sadd.s32 $0x40, s14;
	s13 =	sadd.s32 $0x40, s13;
	[tilespmem:v5+s9+$0x0] =	vst.idx.add.f32.msk vm1, v6  }
0x93: {  	p0 =	slt.u32 s15, $0x12C;
	v5 =	vld [tilespmem:s13+$0xFFFFFFE0];
	_ =	sdelay $0x2  }
0x94: {  	v6 =	vld [tilespmem:s14+$0xFFFFFFE0];
	_ =	sdelay $0x1  }
0x95: {  	v7 =	vperm.xlane v5, v2;
	v8 =	vperm.xlane v5, v3;
	_ =	sdelay $0x1  }
0x96: {  	vm1 =	veq.s32 v5, v7;
	vm2 =	vne.s32 v5, v8  }
0x97: {  	v7 =	vsel vm1, $0x80000000, v4;
	(xrf2) =	vadd.scan.msk.f32 $0xffff, v6  }
0x98: {  	(xrf0) =	vmax.scan.msk.u32 $0xffff, v7;
	_ =	sdelay $0x5  }
0x99: {  	v6, _, _ =	vpop (xrf0)  }
0x9a: {  	v7 =	vadd.s32 $0x7FFFFFFF, v6  }
0x9b: {  	vm1 =	vgt.s32 v7, $0x0  }
0x9c: {  	vm2 =	vmor vm2, vm0;
	v7 =	vnsel vm1, $0x0, v7;
	v8, _, _ =	vpop (xrf2)  }
0x9d: {  	v7 =	vperm.xlane v8, v7  }
0x9e: {  	vm1 =	veq.s32 v6, $0x80000000  }
0x9f: {  	v6 =	vsel vm1, $0x0, v7  }
0xa0: {  	v6 =	vsub.f32 v8, v6;
	_ =	sdelay $0x1  }
0xa1: {  	[tilespmem:v5+s9+$0x0] =	vst.idx.add.f32.msk vm2, v6  }
0xa2: {  	v5 =	vld [tilespmem:s13+$0xFFFFFFF0];
	_ =	sdelay $0x2  }
0xa3: {  	v6 =	vld [tilespmem:s14+$0xFFFFFFF0];
	_ =	sdelay $0x1  }
0xa4: {  	v7 =	vperm.xlane v5, v2;
	v8 =	vperm.xlane v5, v3;
	_ =	sdelay $0x1  }
0xa5: {  	vm1 =	veq.s32 v5, v7;
	vm2 =	vne.s32 v5, v8  }
0xa6: {  	v7 =	vsel vm1, $0x80000000, v4;
	(xrf2) =	vadd.scan.msk.f32 $0xffff, v6  }
0xa7: {  	(xrf0) =	vmax.scan.msk.u32 $0xffff, v7;
	_ =	sdelay $0x5  }
0xa8: {  	v6, _, _ =	vpop (xrf0)  }
0xa9: {  	v7 =	vadd.s32 $0x7FFFFFFF, v6  }
0xaa: {  	vm1 =	vgt.s32 v7, $0x0  }
0xab: {  	vm2 =	vmor vm2, vm0;
	v7 =	vnsel vm1, $0x0, v7;
	v8, _, _ =	vpop (xrf2)  }
0xac: {  	v7 =	vperm.xlane v8, v7  }
0xad: {  	vm1 =	veq.s32 v6, $0x80000000  }
0xae: {  	v6 =	vsel vm1, $0x0, v7  }
0xaf: {  	v6 =	vsub.f32 v8, v6;
	_ =	sdelay $0x1  }
0xb0: {  	[tilespmem:v5+s9+$0x0] =	vst.idx.add.f32.msk vm2, v6  }
0xb1: {  	v5 =	vld [tilespmem:s13+$0x0];
	_ =	sdelay $0x2  }
0xb2: {  	v6 =	vld [tilespmem:s14+$0x0];
	_ =	sdelay $0x1  }
0xb3: {  	v7 =	vperm.xlane v5, v2;
	v8 =	vperm.xlane v5, v3;
	_ =	sdelay $0x1  }
0xb4: {  	vm1 =	veq.s32 v5, v7;
	vm2 =	vne.s32 v5, v8  }
0xb5: {  	v7 =	vsel vm1, $0x80000000, v4;
	(xrf2) =	vadd.scan.msk.f32 $0xffff, v6  }
0xb6: {  	(xrf0) =	vmax.scan.msk.u32 $0xffff, v7;
	_ =	sdelay $0x5  }
0xb7: {  	v6, _, _ =	vpop (xrf0)  }
0xb8: {  	v7 =	vadd.s32 $0x7FFFFFFF, v6  }
0xb9: {  	vm1 =	vgt.s32 v7, $0x0  }
0xba: {  	vm2 =	vmor vm2, vm0;
	v7 =	vnsel vm1, $0x0, v7;
	v8, _, _ =	vpop (xrf2)  }
0xbb: {  	v7 =	vperm.xlane v8, v7  }
0xbc: {  	vm1 =	veq.s32 v6, $0x80000000  }
0xbd: {  	v6 =	vsel vm1, $0x0, v7  }
0xbe: {  	v6 =	vsub.f32 v8, v6;
	_ =	sdelay $0x1  }
0xbf: {  	[tilespmem:v5+s9+$0x0] =	vst.idx.add.f32.msk vm2, v6  }
0xc0: {  	v5 =	vld [tilespmem:s13+$0x10]  }
0xc1: {  	v6 =	vld [tilespmem:s14+$0x10];
	_ =	sdelay $0x3  }
0xc2: {  	v7 =	vperm.xlane v5, v2;
	v8 =	vperm.xlane v5, v3;
	_ =	sdelay $0x1  }
0xc3: {  	vm1 =	veq.s32 v5, v7;
	vm2 =	vne.s32 v5, v8  }
0xc4: {  	v7 =	vsel vm1, $0x80000000, v4;
	(xrf2) =	vadd.scan.msk.f32 $0xffff, v6  }
0xc5: {  	(xrf0) =	vmax.scan.msk.u32 $0xffff, v7;
	_ =	sdelay $0x5  }
0xc6: {  	v6, _, _ =	vpop (xrf0)  }
0xc7: {  	v7 =	vadd.s32 $0x7FFFFFFF, v6  }
0xc8: {  	vm3 =	vgt.s32 v7, $0x0  }
.Ltmp0:
0xc9: {  	vm1 =	vmor vm2, vm0;
	v7 =	vnsel vm3, $0x0, v7;
	v8, _, _ =	vpop (xrf2);
	(pc) =	sbr.rel @p0 .LBB2_2-.Ltmp0, $4  }
0xca: {  	v7 =	vperm.xlane v8, v7  }
0xcb: {  	vm2 =	veq.s32 v6, $0x80000000  }
0xcc: {  	v6 =	vsel vm2, $0x0, v7  }
0xcd: {  	v6 =	vsub.f32 v8, v6  }
0xce: {  	_ =	sdelay $0x4  }
0xcf: {  	[tilespmem:v5+s9+$0x0] =	vst.idx.add.f32.msk vm1, v6  }
0xd0: {  	v5 =	vld [tilespmem:$0x1300];
	_ =	sdelay $0x2  }
0xd1: {  	v6 =	vld [tilespmem:$0x2680];
	_ =	sdelay $0x1  }
0xd2: {  	v7 =	vperm.xlane v5, v2;
	_ =	sdelay $0x1  }
0xd3: {  	vm1 =	veq.s32 v5, v7  }
0xd4: {  	(xrf2) =	vadd.scan.msk.f32 $0xffff, v6;
	v6 =	vsel vm1, $0x80000000, v4  }
0xd5: {  	(xrf0) =	vmax.scan.msk.u32 $0xffff, v6;
	_ =	sdelay $0x4  }
0xd6: {  	v6 =	vperm.xlane v5, v0  }
0xd7: {  	v7, _, _ =	vpop (xrf0)  }
0xd8: {  	v8 =	vadd.s32 $0x7FFFFFFF, v7  }
0xd9: {  	vm1 =	vne.s32 v5, v6;
	vm2 =	vgt.s32 v8, $0x0  }
0xda: {  	vm1 =	vmor vm1, vm0;
	v6, _, _ =	vpop (xrf2);
	v8 =	vnsel vm2, $0x0, v8  }
0xdb: {  	v8 =	vperm.xlane v6, v8  }
0xdc: {  	vm2 =	veq.s32 v7, $0x80000000  }
0xdd: {  	v7 =	vsel vm2, $0x0, v8  }
0xde: {  	s12 =	sadd.s32 $0x1, s12;
	v6 =	vsub.f32 v6, v7  }
0xdf: {  	p0 =	sne.s32 s12, s6  }
.Ltmp1:
0xe0: {  	[tilespmem:v5+s9+$0x0] =	vst.idx.add.f32.msk vm1, v6;
	(pc) =	sbr.rel @p0 .LBB2_1-.Ltmp1, $4  }
0xe1: {  	[hbm4b:s5+s10] =	stream.strided.scatter [tilespmem:s9], [sflag:$0x1], $0x400, s11, s10, $0x38;
	[tilespmem:$0x2B00] =	vst v63  }
0xe2: {  	_ =	swait.ge [sflag:s7], $0x400  }
0xe3: {  	[sflag:s7] =	ssyncset.done $0x0  }
0xe4: {  	[sflag:s7] =	ssyncadd.s32 $0xFFFFFC00  }
0xe5: {  	_ =	sfence.sel $0x180000  }
0xe6: {  	[bflag:$0x0] =	sbarrier.arrive $0xFFFF  }
0xe7: {  	p0 =	sne.s32 s0, $0x0;
	_ =	strace $0x9000004A  }
0xe8: {  	s0 =	sadd.s32 @!p0 $0x100000, s1;
	[bflag:$0x2] =	sbarrier.arrive $0xFFFF  }
0xe9: {  	[sflag:s0] =	ssyncadd.tile.s32 @!p0 $0x1;
	_ =	shalt  }
.Lfunc_end2:
_tile_overlayer_lowered:
.L_overlay_start_2:
0xea: {  	(tag) =	ssettag $0x2  }
0xeb: {  	s0 =	rddreg [dreg:$0x0];
	s2 =	stileid.u32  }
0xec: {  	s1 =	rddreg [dreg:$0x1];
	p0 =	sne.s32 s2, $0x0  }
0xed: {  	s3 =	rddreg [dreg:$0x2];
	[bflag:$0x3] =	sbarrier.arrive $0xFFFF;
	s2 =	simm.s32 @!p0 $0x1C01  }
0xee: {  	[timem:s3], [sflag:s2] =	dma.local @!p0 [hbm:s0], s1  }
0xef: {  	s0 =	simm.s32 @!p0 $0x1  }
0xf0: {  	_ =	swait.ge @!p0 [sflag:s0], s1  }
0xf1: {  	s1 =	ssub.s32 @!p0 $0x0, s1;
	[sflag:s0] =	ssyncset.done @!p0 $0x0  }
0xf2: {  	[sflag:s0] =	ssyncadd.s32 @!p0 s1  }
0xf3: {  	[bflag:$0x3] =	sbarrier.arrive $0xFFFF  }
0xf4: {  	_ =	shalt  }

// kernel: kernel.7.cloned.1.call-start
scs
__scs_entry_jumppad:
0x0: {  	(pc) =	sbr.rel $0x88, $3  }
0x1: {  	(tag) =	ssettag $0x0;
	lr =	simm.s32 $0x1  }
0x2: {  	[smem:$0x3F9A] =	sst lr;
	_ =	strace $0xD0000000  }
0x3: {  	_ = 	snop  }
0x4: {  	_ = 	snop  }
0x5: {  	_ = 	snop  }
0x6: {  	_ = 	snop  }
0x7: {  	_ = 	snop  }
__scs_overlays_trampoline_lowered:
0x8: {  	[smem:$0x3FA9] =	sst s0  }
0x9: {  	[smem:$0x3FAA] =	sst s1  }
0xa: {  	[smem:$0x3FAB] =	sst s2  }
0xb: {  	[smem:$0x3FAC] =	sst s3  }
0xc: {  	[smem:$0x3FAD] =	sst s4  }
0xd: {  	[smem:$0x3FAE] =	sst s5  }
0xe: {  	[smem:$0x3FAF] =	sst s6  }
0xf: {  	[smem:$0x3FB0] =	sst s7  }
0x10: {  	[smem:$0x3FB1] =	sst s8  }
0x11: {  	[smem:$0x3FB2] =	sst s9;
	s0 =	simm.s32 @!p0 $0x0  }
0x12: {  	s1 =	sld [smem:$0x3F98];
	s0 =	simm.s32 @p0 $0x1  }
0x13: {  	[smem:$0x3FB3] =	sst s0;
	s0 =	simm.s32 @!p1 $0x0  }
0x14: {  	s2 =	sld [smem:$0x3F97];
	s0 =	simm.s32 @p1 $0x1  }
0x15: {  	[smem:$0x3FB4] =	sst s0;
	s0 =	simm.s32 @!p2 $0x0  }
0x16: {  	s3 =	sld [smem:$0x3FDB];
	s0 =	simm.s32 @p2 $0x1  }
0x17: {  	s4 =	simm.s32 $0x1BF5;
	[smem:$0x3FB6] =	sst s0  }
0x18: {  	s0 =	sld [smem:$0x3F99];
	_ =	swait.ge [sflag:s4], $0x0  }
0x19: {  	s7 =	sld [smem:$0x3F9A]  }
0x1a: {  	s8 =	sadd.s32 $0xFFFFE003, lr  }
0x1b: {  	s9 =	sadd.s32 $0xFFFFFEF7, lr;
	s5 =	simm.s32 $0xFFFFFFFF;
	p2 =	slt.u32 s8, $0xFFFFF086  }
0x1c: {  	p1 =	slt.u32 s9, $0xF7A;
	s5 =	simm.s32 @!p2 $0x0  }
0x1d: {  	s5 =	simm.s32 @p1 $0x1;
	p0 =	seq.s32 s7, s2  }
0x1e: {  	s7 =	smul.u32 @!p0 $0xF7A, s2;
	p2 =	seq.s32 @!p0 s5, $0x0  }
0x1f: {  	s9 =	smul.u32 $0xF7A, s1;
	s8 =	simm.s32 @!p0 $0x1BF5;
	p2 =	por !p2, p0  }
0x20: {  	[sflag:s8] =	ssyncset.s32 @!p0 $0xFFFFF086;
	s6 =	sadd.s32 @!p0 s3, s7;
	s7 =	simm.s32 @!p0 $0x108  }
0x21: {  	s3 =	sadd.s32 s3, s9;
	s6 =	sadd.s32 @!p0 $0x88, s6;
	s7 =	simm.s32 @p2 $0x1082  }
0x22: {  	[simem:s7], [sflag:s8] =	dma.local @!p0 [hbm:s6], $0xF7A  }
0x23: {  	s9 =	sor.u32 $0xD0000000, s2;
	s6 =	simm.s32 $0x108;
	_ =	swait.ge @!p0 [sflag:s8], $0x0  }
0x24: {  	s3 =	sadd.s32 $0x88, s3;
	s6 =	simm.s32 @!p1 $0x1082;
	[sflag:s4] =	ssyncset.s32 $0xFFFFF086  }
0x25: {  	[simem:s6], [sflag:s4] =	dma.local [hbm:s3], $0xF7A  }
0x26: {  	[smem:$0x3F9A] =	sst s1;
	(tag) =	ssettag s2;
	_ =	strace s9  }
0x27: {  	s1 =	sld [smem:$0x3FAA]  }
0x28: {  	s2 =	sld [smem:$0x3FAB]  }
0x29: {  	s4 =	sld [smem:$0x3FAD]  }
0x2a: {  	p0 =	seq.s32 s5, $0x0;
	s5 =	sld [smem:$0x3FAE]  }
0x2b: {  	s6 =	sld [smem:$0x3FAF]  }
0x2c: {  	s7 =	sld [smem:$0x3FB0]  }
0x2d: {  	s3 =	simm.s32 $0x108;
	s8 =	sld [smem:$0x3FB1]  }
0x2e: {  	s3 =	simm.s32 @!p0 $0x1082;
	s9 =	sld [smem:$0x3FB2]  }
0x2f: {  	lr =	sadd.s32 s0, s3;
	s0 =	sld [smem:$0x3FA9]  }
0x30: {  	s3 =	sld [smem:$0x3FAC]  }
0x31: {  	[smem:$0x3FB5] =	sst s10  }
0x32: {  	s10 =	sld [smem:$0x3FB3];
	_ =	sdelay $0x3  }
0x33: {  	p0 =	seq.s32 s10, $0x1;
	s10 =	sld [smem:$0x3FB5];
	_ =	sdelay $0x3  }
0x34: {  	[smem:$0x3FB5] =	sst s10  }
0x35: {  	s10 =	sld [smem:$0x3FB4];
	_ =	sdelay $0x3  }
0x36: {  	p1 =	seq.s32 s10, $0x1;
	s10 =	sld [smem:$0x3FB5];
	_ =	sdelay $0x3  }
0x37: {  	[smem:$0x3FB5] =	sst s10  }
0x38: {  	s10 =	sld [smem:$0x3FB6]  }
0x39: {  	_ = 	snop;
	(pc) =	sbr.ind lr, $3  }
0x3a: {  	_ = 	snop  }
0x3b: {  	_ = 	snop  }
0x3c: {  	p2 =	seq.s32 s10, $0x1;
	s10 =	sld [smem:$0x3FB5]  }
0x3d: {  	_ =	shalt  }
0x3e: {  	_ =	shalt  }
0x3f: {  	_ =	shalt  }
0x40: {  	_ =	shalt  }
0x41: {  	_ =	shalt  }
0x42: {  	_ =	shalt  }
0x43: {  	_ =	shalt  }
0x44: {  	_ =	shalt  }
0x45: {  	_ =	shalt  }
0x46: {  	_ =	shalt  }
0x47: {  	_ =	shalt  }
0x48: {  	_ =	shalt  }
0x49: {  	_ =	shalt  }
0x4a: {  	_ =	shalt  }
0x4b: {  	_ =	shalt  }
0x4c: {  	_ =	shalt  }
0x4d: {  	_ =	shalt  }
0x4e: {  	_ =	shalt  }
0x4f: {  	_ =	shalt  }
0x50: {  	_ =	shalt  }
0x51: {  	_ =	shalt  }
0x52: {  	_ =	shalt  }
0x53: {  	_ =	shalt  }
0x54: {  	_ =	shalt  }
0x55: {  	_ =	shalt  }
0x56: {  	_ =	shalt  }
0x57: {  	_ =	shalt  }
0x58: {  	_ =	shalt  }
0x59: {  	_ =	shalt  }
0x5a: {  	_ =	shalt  }
0x5b: {  	_ =	shalt  }
0x5c: {  	_ =	shalt  }
0x5d: {  	_ =	shalt  }
0x5e: {  	_ =	shalt  }
0x5f: {  	_ =	shalt  }
0x60: {  	_ =	shalt  }
0x61: {  	_ =	shalt  }
0x62: {  	_ =	shalt  }
0x63: {  	_ =	shalt  }
0x64: {  	_ =	shalt  }
0x65: {  	_ =	shalt  }
0x66: {  	_ =	shalt  }
0x67: {  	_ =	shalt  }
0x68: {  	_ =	shalt  }
0x69: {  	_ =	shalt  }
0x6a: {  	_ =	shalt  }
0x6b: {  	_ =	shalt  }
0x6c: {  	_ =	shalt  }
0x6d: {  	_ =	shalt  }
0x6e: {  	_ =	shalt  }
0x6f: {  	_ =	shalt  }
0x70: {  	_ =	shalt  }
0x71: {  	_ =	shalt  }
0x72: {  	_ =	shalt  }
0x73: {  	_ =	shalt  }
0x74: {  	_ =	shalt  }
0x75: {  	_ =	shalt  }
0x76: {  	_ =	shalt  }
0x77: {  	_ =	shalt  }
0x78: {  	_ =	shalt  }
0x79: {  	_ =	shalt  }
0x7a: {  	_ =	shalt  }
0x7b: {  	_ =	shalt  }
0x7c: {  	_ =	shalt  }
0x7d: {  	_ =	shalt  }
0x7e: {  	_ =	shalt  }
0x7f: {  	_ =	shalt  }
0x80: {  	_ =	shalt  }
0x81: {  	_ =	shalt  }
0x82: {  	_ =	shalt  }
0x83: {  	_ =	shalt  }
0x84: {  	_ =	shalt  }
0x85: {  	_ =	shalt  }
0x86: {  	_ =	shalt  }
0x87: {  	_ =	shalt  }
.Lfunc_end0:
.L_simem_size_0:
called_computation_lowered:
.L_overlay_start_0:
0x88: {  	s2 =	sld [smem:$0x3FD9]  }
0x89: {  	s3 =	sld [smem:$0x3FFE];
	_ =	sdelay $0x1  }
0x8a: {  	s1 =	srdreg.scid  }
0x8b: {  	s0 =	sand.u32 $0x1, s1  }
0x8c: {  	s17 =	sshll.u32 s0, $0xA;
	s2 =	sadd.s32 s3, s2  }
0x8d: {  	s2 =	sadd.s32 s2, s17  }
0x8e: {  	[smem:$0x3FC1] =	sst s2  }
0x8f: {  	_ = 	snop  }
0x90: {  	s2 =	sld [smem:$0x3FC8];
	(tm) =	ssettm $0x1  }
0x91: {  	s18 =	sld [smem:$0x3FFB];
	_ =	sdelay $0x3  }
0x92: {  	_ =	strace s18  }
0x93: {  	s3 =	sld [smem:$0x3FFC];
	_ =	sdelay $0x3  }
0x94: {  	_ =	strace s3  }
0x95: {  	s3 =	sld [smem:$0x3FFD];
	_ =	sdelay $0x3  }
0x96: {  	_ =	strace s3  }
0x97: {  	_ =	strace $0x8FFFFFFF  }
0x98: {  	s19 =	sld [smem:$0x3FDB];
	_ =	sdelay $0x1  }
0x99: {  	s4 =	simm.s32 $_scs_section_size  }
0x9a: {  	s5 =	simm.s32 $_size__tile_overlayer_lowered;
	s6 =	simm.s32 $_tile_overlayer_lowered  }
0x9b: {  	s22 =	simm.s32 $0x1BFF;
	s21 =	sshll.u32 s6, $0x1;
	s3 =	sadd.s32 s4, s19  }
0x9c: {  	s7 =	simm.s32 $0x0;
	s20 =	sshll.u32 s5, $0x1;
	s5 =	sadd.s32 s21, s3  }
0x9d: {  	[timem:s7], [sflag:s22] =	dma.local [hbm:s5], s20  }
0x9e: {  	_ =	swait.ge [sflag:s22], s20  }
0x9f: {  	s4 =	ssub.s32 $0x0, s20;
	[sflag:s22] =	ssyncset.done $0x0  }
0xa0: {  	[sflag:s22] =	ssyncadd.s32 s4;
	_ =	sdelay $0x1  }
0xa1: {  	s23 =	simm.s32 $0x1B8B  }
0xa2: {  	_ =	swait.ge [sflag:s23], $0x1  }
0xa3: {  	[sflag:s23] =	ssyncset.done $0x0  }
0xa4: {  	s25 =	simm.s32 $0x1B8E;
	s24 =	sld [smem:$0x3FFE];
	[sflag:s23] =	ssyncadd.s32 $0xFFFFFFFF  }
0xa5: {  	s26 =	simm.s32 $execute0_lowered;
	[smem:$0x3FD2] =	sst s25  }
0xa6: {  	s5 =	sshll.u32 s26, $0x1;
	_ =	strace $0x80000046;
	[dreg:$0x1] =	wrdreg $0xFFFFFFFF  }
0xa7: {  	s28 =	simm.s32 $_size_execute0_lowered;
	s3 =	sadd.s32 s3, s5;
	[dreg:$0x0] =	wrdreg $0x0  }
0xa8: {  	s5 =	sshll.u32 s28, $0x1;
	[dreg:$0x2] =	wrdreg s3  }
0xa9: {  	[dreg:$0x3] =	wrdreg s5  }
0xaa: {  	[dreg:$0x4] =	wrdreg $0xC0  }
0xab: {  	_ =	task [dreg:s7], $0x5FFFF  }
0xac: {  	[dreg:$0x1] =	wrdreg $0xFFFFFFFF  }
0xad: {  	[dreg:$0x0] =	wrdreg $0x60  }
0xae: {  	[dreg:$0x2] =	wrdreg s24  }
0xaf: {  	[dreg:$0x3] =	wrdreg s2  }
0xb0: {  	[dreg:$0x4] =	wrdreg $0x9  }
0xb1: {  	_ =	task.clear_ibuf [dreg:s7], $0x5FFFF;
	_ =	strace $0x90000046  }
0xb2: {  	s29 =	simm.s32 $0x9;
	_ =	strace $0x80000048  }
0xb3: {  	_ =	swait.ge [sflag:s29], $0x1  }
0xb4: {  	[sflag:s29] =	ssyncadd.s32 $0xFFFFFFFF  }
0xb5: {  	_ =	strace $0x90000048  }
0xb6: {  	_ =	sfence  }
0xb7: {  	s30 =	sld [smem:$0x0];
	_ =	sdelay $0x2  }
0xb8: {  	s31 =	sshll.u32 s1, $0xD;
	s1 =	sshrl.u32 s1, $0x2  }
0xb9: {  	s3 =	sand.u32 $0x4000, s31;
	s1 =	sadd.s32 s1, s30  }
0xba: {  	s0 =	sor.u32 s3, s0;
	s1 =	sshll.u32 s1, $0x11  }
0xbb: {  	s0 =	sor.u32 s1, s0  }
0xbc: {  	s0 =	sadd.s32 $0x8F2B, s0  }
0xbd: {  	[sflag:s0] =	ssyncadd.remote.s32 $0x1  }
0xbe: {  	_ =	sfence.sel $0xFFFF  }
0xbf: {  	[dreg:$0x0] =	wrdreg $0xFFFFFFFF;
	(pc) =	sbr.abs _section_cstart, $3  }
0xc0: {  	[dreg:$0x1] =	wrdreg $0xFFFFFFFF  }
0xc1: {  	_ =	task.clear_ibuf [dreg:s7], $0x2FFFF;
	_ =	strace $0x9FFFFFFF  }
0xc2: {  	(tm) =	ssettm $0x7FFFFFFF  }
0xc3: {  	_ =	shalt  }
tec
execute0_lowered:
.L_overlay_start_1:
0x0: {  	(tag) =	ssettag $0x1  }
0x1: {  	s1 =	srdreg.scid;
	s3 =	rddreg [dreg:$0x0]  }
0x2: {  	s0 =	stileid.u32;
	s5 =	rddreg [dreg:$0x1];
	s2 =	simm.s32 $0x0  }
0x3: {  	s11 =	simm.s32 $0x400;
	s12 =	simm.s32 $0x0;
	[smem:$0x7FF] =	sst s2  }
0x4: {  	v2 =	vimm.s32 $0xFFEDCBA9;
	v3 =	vimm.s32 $0x87654321;
	s4 =	sand.u32 $0x1, s1;
	s29 =	sshll.u32 s0, $0x1;
	s1 =	rddreg [dreg:$0x2]  }
0x5: {  	v1 =	vimm.s32 $0xEDCBA987;
	s9 =	sshll.u32 s0, $0x8;
	v2 =	vunpack.c.l.s4.s8 v2;
	v3 =	vunpack.c.l.s4.s8 v3;
	s6 =	sor.u32 s4, s29;
	_ =	strace $0x80000047  }
0x6: {  	v0 =	vimm.s32 $0x65432100;
	v1 =	vunpack.c.l.s4.s8 v1;
	s9 =	sand.u32 $0xC00, s9;
	s4 =	ssub.s32 $0x2, s4;
	s7 =	smul.u32 $0x280, s6  }
0x7: {  	v0 =	vunpack.c.l.s4.s8 v0;
	s6 =	sshll.u32 s6, $0x4;
	s9 =	sadd.s32 s9, s3;
	s30 =	sshrl.u32 s4, $0x1;
	v2 =	vunpack.c.0.s8.s32 v2;
	v3 =	vunpack.c.0.s8.s32 v3  }
0x8: {  	v1 =	vunpack.c.0.s8.s32 v1;
	s6 =	sand.u32 $0x70, s6;
	s10 =	ssub.s32 s4, s30;
	s8 =	sadd.s32 s7, s3  }
0x9: {  	vm0 =	vcmask $0x3F3C;
	v4 =	vunpack.c.0.s8.s32 v0;
	s3 =	sadd.s32 s5, s7;
	s31 =	sadd.s32 s6, s9;
	s6 =	smax.u32 s10, $0x1;
	v2 =	vcombine.low v3, v2  }
0xa: {  	v0 =	vimm.f32 $0.0e+00;
	v1 =	vand.u32 $0xF, v1;
	s7 =	simm.s32 $0x1;
	v3 =	vlaneseq.u32;
	s9 =	simm.s32 $0x2800;
	s10 =	simm.s32 $0x80  }
0xb: {  	s4 =	sadd.s32 $0x1200, s8;
	s5 =	sadd.s32 $0x6200, s31;
	s8 =	simm.s32 $0x1400;
	v1 =	vcombine.low v4, v1;
	v3 =	vor.u32 $0x80000000, v3;
	v2 =	vand.u32 $0xF, v2  }
.LBB2_1:
0xc: {  	[tilespmem:s2], [sflag:$0x1] =	stream.linear.gather [hbm4b:s3+s2], $0x1400, $0x38;
	[tilespmem:$0x2C00] =	vst v63  }
0xd: {  	_ =	swait.ge [sflag:s7], $0x1400  }
0xe: {  	[sflag:s7] =	ssyncset.done $0x0  }
0xf: {  	[sflag:s7] =	ssyncadd.s32 $0xFFFFEC00  }
0x10: {  	[tilespmem:s8], [sflag:$0x1] =	stream.linear.gather [hbm4b:s4+s2], $0x1400, $0x38;
	[tilespmem:$0x2C00] =	vst v63  }
0x11: {  	_ =	swait.ge [sflag:s7], $0x1400  }
0x12: {  	[sflag:s7] =	ssyncset.done $0x0  }
0x13: {  	[sflag:s7] =	ssyncadd.s32 $0xFFFFEC00  }
0x14: {  	[tilespmem:$0x2800] =	vst v0  }
0x15: {  	[tilespmem:$0x2810] =	vst v0  }
0x16: {  	[tilespmem:$0x2820] =	vst v0  }
0x17: {  	[tilespmem:$0x2830] =	vst v0  }
0x18: {  	[tilespmem:$0x2840] =	vst v0  }
0x19: {  	[tilespmem:$0x2850] =	vst v0  }
0x1a: {  	[tilespmem:$0x2860] =	vst v0  }
0x1b: {  	[tilespmem:$0x2870] =	vst v0  }
0x1c: {  	[tilespmem:$0x2880] =	vst v0  }
0x1d: {  	[tilespmem:$0x2890] =	vst v0  }
0x1e: {  	[tilespmem:$0x28A0] =	vst v0  }
0x1f: {  	[tilespmem:$0x28B0] =	vst v0  }
0x20: {  	[tilespmem:$0x28C0] =	vst v0  }
0x21: {  	[tilespmem:$0x28D0] =	vst v0  }
0x22: {  	[tilespmem:$0x28E0] =	vst v0  }
0x23: {  	[tilespmem:$0x28F0] =	vst v0  }
0x24: {  	[tilespmem:$0x2900] =	vst v0  }
0x25: {  	[tilespmem:$0x2910] =	vst v0  }
0x26: {  	[tilespmem:$0x2920] =	vst v0  }
0x27: {  	[tilespmem:$0x2930] =	vst v0  }
0x28: {  	[tilespmem:$0x2940] =	vst v0  }
0x29: {  	[tilespmem:$0x2950] =	vst v0  }
0x2a: {  	[tilespmem:$0x2960] =	vst v0  }
0x2b: {  	[tilespmem:$0x2970] =	vst v0  }
0x2c: {  	[tilespmem:$0x2980] =	vst v0  }
0x2d: {  	[tilespmem:$0x2990] =	vst v0  }
0x2e: {  	[tilespmem:$0x29A0] =	vst v0  }
0x2f: {  	[tilespmem:$0x29B0] =	vst v0  }
0x30: {  	[tilespmem:$0x29C0] =	vst v0  }
0x31: {  	[tilespmem:$0x29D0] =	vst v0  }
0x32: {  	[tilespmem:$0x29E0] =	vst v0  }
0x33: {  	[tilespmem:$0x29F0] =	vst v0  }
0x34: {  	[tilespmem:$0x2A00] =	vst v0  }
0x35: {  	[tilespmem:$0x2A10] =	vst v0  }
0x36: {  	[tilespmem:$0x2A20] =	vst v0  }
0x37: {  	[tilespmem:$0x2A30] =	vst v0  }
0x38: {  	[tilespmem:$0x2A40] =	vst v0  }
0x39: {  	[tilespmem:$0x2A50] =	vst v0  }
0x3a: {  	[tilespmem:$0x2A60] =	vst v0  }
0x3b: {  	[tilespmem:$0x2A70] =	vst v0  }
0x3c: {  	[tilespmem:$0x2A80] =	vst v0  }
0x3d: {  	[tilespmem:$0x2A90] =	vst v0  }
0x3e: {  	[tilespmem:$0x2AA0] =	vst v0  }
0x3f: {  	[tilespmem:$0x2AB0] =	vst v0  }
0x40: {  	[tilespmem:$0x2AC0] =	vst v0  }
0x41: {  	[tilespmem:$0x2AD0] =	vst v0  }
0x42: {  	[tilespmem:$0x2AE0] =	vst v0  }
0x43: {  	[tilespmem:$0x2AF0] =	vst v0  }
0x44: {  	[tilespmem:$0x2B00] =	vst v0  }
0x45: {  	[tilespmem:$0x2B10] =	vst v0  }
0x46: {  	[tilespmem:$0x2B20] =	vst v0  }
0x47: {  	[tilespmem:$0x2B30] =	vst v0  }
0x48: {  	[tilespmem:$0x2B40] =	vst v0  }
0x49: {  	[tilespmem:$0x2B50] =	vst v0  }
0x4a: {  	[tilespmem:$0x2B60] =	vst v0  }
0x4b: {  	[tilespmem:$0x2B70] =	vst v0  }
0x4c: {  	[tilespmem:$0x2B80] =	vst v0  }
0x4d: {  	[tilespmem:$0x2B90] =	vst v0  }
0x4e: {  	[tilespmem:$0x2BA0] =	vst v0  }
0x4f: {  	[tilespmem:$0x2BB0] =	vst v0  }
0x50: {  	[tilespmem:$0x2BC0] =	vst v0  }
0x51: {  	[tilespmem:$0x2BD0] =	vst v0  }
0x52: {  	[tilespmem:$0x2BE0] =	vst v0  }
0x53: {  	s13 =	simm.s32 $0x20;
	[tilespmem:$0x2BF0] =	vst v0  }
0x54: {  	v4 =	vld [tilespmem:s13+$0xFFFFFFE0];
	_ =	sdelay $0x1  }
0x55: {  	s14 =	simm.s32 $0x1420  }
0x56: {  	v5 =	vld [tilespmem:s14+$0xFFFFFFE0];
	_ =	sdelay $0x1  }
0x57: {  	v6 =	vperm.xlane v4, v1;
	_ =	sdelay $0x1  }
0x58: {  	vm1 =	veq.s32 v4, v6  }
0x59: {  	(xrf2) =	vadd.scan.msk.f32 $0xffff, v5;
	v6 =	vsel vm1, $0x80000000, v3  }
0x5a: {  	(xrf0) =	vmax.scan.msk.u32 $0xffff, v6;
	_ =	sdelay $0x5  }
0x5b: {  	v6, _, _ =	vpop (xrf0)  }
0x5c: {  	v5 =	vperm.xlane v4, v2;
	v7 =	vadd.s32 $0x7FFFFFFF, v6;
	_ =	sdelay $0x1  }
0x5d: {  	vm1 =	vne.s32 v4, v5;
	vm2 =	vgt.s32 v7, $0x0  }
0x5e: {  	vm1 =	vmor vm1, vm0;
	v5 =	vnsel vm2, $0x0, v7;
	v7, _, _ =	vpop (xrf2)  }
0x5f: {  	v5 =	vperm.xlane v7, v5  }
0x60: {  	vm2 =	veq.s32 v6, $0x80000000  }
0x61: {  	v5 =	vsel vm2, $0x0, v5  }
0x62: {  	v5 =	vsub.f32 v7, v5;
	_ =	sdelay $0x1  }
0x63: {  	[tilespmem:v4+s9+$0x0] =	vst.idx.add.f32.msk vm1, v5  }
0x64: {  	v4 =	vld [tilespmem:s13+$0xFFFFFFF0];
	_ =	sdelay $0x2  }
0x65: {  	v5 =	vld [tilespmem:s14+$0xFFFFFFF0];
	_ =	sdelay $0x1  }
0x66: {  	v6 =	vperm.xlane v4, v1;
	_ =	sdelay $0x1  }
0x67: {  	vm1 =	veq.s32 v4, v6  }
0x68: {  	(xrf2) =	vadd.scan.msk.f32 $0xffff, v5;
	v6 =	vsel vm1, $0x80000000, v3  }
0x69: {  	(xrf0) =	vmax.scan.msk.u32 $0xffff, v6;
	_ =	sdelay $0x5  }
0x6a: {  	v6, _, _ =	vpop (xrf0)  }
0x6b: {  	v5 =	vperm.xlane v4, v2;
	v7 =	vadd.s32 $0x7FFFFFFF, v6;
	_ =	sdelay $0x1  }
0x6c: {  	vm1 =	vne.s32 v4, v5;
	vm2 =	vgt.s32 v7, $0x0  }
0x6d: {  	vm1 =	vmor vm1, vm0;
	v5 =	vnsel vm2, $0x0, v7;
	v7, _, _ =	vpop (xrf2)  }
0x6e: {  	v5 =	vperm.xlane v7, v5  }
0x6f: {  	vm2 =	veq.s32 v6, $0x80000000  }
0x70: {  	v5 =	vsel vm2, $0x0, v5  }
0x71: {  	v5 =	vsub.f32 v7, v5;
	_ =	sdelay $0x1  }
0x72: {  	[tilespmem:v4+s9+$0x0] =	vst.idx.add.f32.msk vm1, v5  }
0x73: {  	v4 =	vld [tilespmem:s13+$0x0];
	_ =	sdelay $0x2  }
0x74: {  	v5 =	vld [tilespmem:s14+$0x0];
	_ =	sdelay $0x1  }
0x75: {  	v6 =	vperm.xlane v4, v1;
	_ =	sdelay $0x1  }
0x76: {  	vm1 =	veq.s32 v4, v6  }
0x77: {  	(xrf2) =	vadd.scan.msk.f32 $0xffff, v5;
	v6 =	vsel vm1, $0x80000000, v3  }
0x78: {  	(xrf0) =	vmax.scan.msk.u32 $0xffff, v6;
	_ =	sdelay $0x5  }
0x79: {  	v6, _, _ =	vpop (xrf0)  }
0x7a: {  	v5 =	vperm.xlane v4, v2;
	v7 =	vadd.s32 $0x7FFFFFFF, v6;
	_ =	sdelay $0x1  }
0x7b: {  	vm1 =	vne.s32 v4, v5;
	vm2 =	vgt.s32 v7, $0x0  }
0x7c: {  	vm1 =	vmor vm1, vm0;
	v5 =	vnsel vm2, $0x0, v7;
	v7, _, _ =	vpop (xrf2)  }
0x7d: {  	v5 =	vperm.xlane v7, v5  }
0x7e: {  	vm2 =	veq.s32 v6, $0x80000000  }
0x7f: {  	v5 =	vsel vm2, $0x0, v5  }
0x80: {  	v5 =	vsub.f32 v7, v5;
	_ =	sdelay $0x1  }
0x81: {  	[tilespmem:v4+s9+$0x0] =	vst.idx.add.f32.msk vm1, v5  }
0x82: {  	v4 =	vld [tilespmem:s13+$0x10];
	_ =	sdelay $0x2  }
0x83: {  	v5 =	vld [tilespmem:s14+$0x10];
	_ =	sdelay $0x1  }
0x84: {  	v6 =	vperm.xlane v4, v1;
	_ =	sdelay $0x1  }
0x85: {  	vm1 =	veq.s32 v4, v6  }
0x86: {  	(xrf2) =	vadd.scan.msk.f32 $0xffff, v5;
	v6 =	vsel vm1, $0x80000000, v3  }
0x87: {  	(xrf0) =	vmax.scan.msk.u32 $0xffff, v6;
	_ =	sdelay $0x5  }
0x88: {  	v5, _, _ =	vpop (xrf0)  }
0x89: {  	v6 =	vadd.s32 $0x7FFFFFFF, v5  }
0x8a: {  	vm1 =	vgt.s32 v6, $0x0  }
0x8b: {  	v8 =	vperm.xlane v4, v2;
	v7, _, _ =	vpop (xrf2);
	v6 =	vnsel vm1, $0x0, v6  }
0x8c: {  	v6 =	vperm.xlane v7, v6  }
0x8d: {  	vm2 =	vne.s32 v4, v8;
	vm1 =	veq.s32 v5, $0x80000000  }
0x8e: {  	v5 =	vsel vm1, $0x0, v6;
	vm1 =	vmor vm2, vm0;
	_ =	sdelay $0x3  }
0x8f: {  	s15 =	simm.s32 $0x0;
	v5 =	vsub.f32 v7, v5  }
.LBB2_2:
0x90: {  	_ = 	snop  }
0x91: {  	s15 =	sadd.s32 $0x4, s15;
	s14 =	sadd.s32 $0x40, s14;
	s13 =	sadd.s32 $0x40, s13;
	[tilespmem:v4+s9+$0x0] =	vst.idx.add.f32.msk vm1, v5  }
0x92: {  	p0 =	slt.u32 s15, $0x13C;
	v4 =	vld [tilespmem:s13+$0xFFFFFFE0];
	_ =	sdelay $0x2  }
0x93: {  	v5 =	vld [tilespmem:s14+$0xFFFFFFE0];
	_ =	sdelay $0x1  }
0x94: {  	v6 =	vperm.xlane v4, v1;
	v7 =	vperm.xlane v4, v2;
	_ =	sdelay $0x1  }
0x95: {  	vm1 =	veq.s32 v4, v6;
	vm2 =	vne.s32 v4, v7  }
0x96: {  	v6 =	vsel vm1, $0x80000000, v3;
	(xrf2) =	vadd.scan.msk.f32 $0xffff, v5  }
0x97: {  	(xrf0) =	vmax.scan.msk.u32 $0xffff, v6;
	_ =	sdelay $0x5  }
0x98: {  	v5, _, _ =	vpop (xrf0)  }
0x99: {  	v6 =	vadd.s32 $0x7FFFFFFF, v5  }
0x9a: {  	vm1 =	vgt.s32 v6, $0x0  }
0x9b: {  	vm2 =	vmor vm2, vm0;
	v6 =	vnsel vm1, $0x0, v6;
	v7, _, _ =	vpop (xrf2)  }
0x9c: {  	v6 =	vperm.xlane v7, v6  }
0x9d: {  	vm1 =	veq.s32 v5, $0x80000000  }
0x9e: {  	v5 =	vsel vm1, $0x0, v6  }
0x9f: {  	v5 =	vsub.f32 v7, v5;
	_ =	sdelay $0x1  }
0xa0: {  	[tilespmem:v4+s9+$0x0] =	vst.idx.add.f32.msk vm2, v5  }
0xa1: {  	v4 =	vld [tilespmem:s13+$0xFFFFFFF0];
	_ =	sdelay $0x2  }
0xa2: {  	v5 =	vld [tilespmem:s14+$0xFFFFFFF0];
	_ =	sdelay $0x1  }
0xa3: {  	v6 =	vperm.xlane v4, v1;
	v7 =	vperm.xlane v4, v2;
	_ =	sdelay $0x1  }
0xa4: {  	vm1 =	veq.s32 v4, v6;
	vm2 =	vne.s32 v4, v7  }
0xa5: {  	v6 =	vsel vm1, $0x80000000, v3;
	(xrf2) =	vadd.scan.msk.f32 $0xffff, v5  }
0xa6: {  	(xrf0) =	vmax.scan.msk.u32 $0xffff, v6;
	_ =	sdelay $0x5  }
0xa7: {  	v5, _, _ =	vpop (xrf0)  }
0xa8: {  	v6 =	vadd.s32 $0x7FFFFFFF, v5  }
0xa9: {  	vm1 =	vgt.s32 v6, $0x0  }
0xaa: {  	vm2 =	vmor vm2, vm0;
	v6 =	vnsel vm1, $0x0, v6;
	v7, _, _ =	vpop (xrf2)  }
0xab: {  	v6 =	vperm.xlane v7, v6  }
0xac: {  	vm1 =	veq.s32 v5, $0x80000000  }
0xad: {  	v5 =	vsel vm1, $0x0, v6  }
0xae: {  	v5 =	vsub.f32 v7, v5;
	_ =	sdelay $0x1  }
0xaf: {  	[tilespmem:v4+s9+$0x0] =	vst.idx.add.f32.msk vm2, v5  }
0xb0: {  	v4 =	vld [tilespmem:s13+$0x0];
	_ =	sdelay $0x2  }
0xb1: {  	v5 =	vld [tilespmem:s14+$0x0];
	_ =	sdelay $0x1  }
0xb2: {  	v6 =	vperm.xlane v4, v1;
	v7 =	vperm.xlane v4, v2;
	_ =	sdelay $0x1  }
0xb3: {  	vm1 =	veq.s32 v4, v6;
	vm2 =	vne.s32 v4, v7  }
0xb4: {  	v6 =	vsel vm1, $0x80000000, v3;
	(xrf2) =	vadd.scan.msk.f32 $0xffff, v5  }
0xb5: {  	(xrf0) =	vmax.scan.msk.u32 $0xffff, v6;
	_ =	sdelay $0x5  }
0xb6: {  	v5, _, _ =	vpop (xrf0)  }
0xb7: {  	v6 =	vadd.s32 $0x7FFFFFFF, v5  }
0xb8: {  	vm1 =	vgt.s32 v6, $0x0  }
0xb9: {  	vm2 =	vmor vm2, vm0;
	v6 =	vnsel vm1, $0x0, v6;
	v7, _, _ =	vpop (xrf2)  }
0xba: {  	v6 =	vperm.xlane v7, v6  }
0xbb: {  	vm1 =	veq.s32 v5, $0x80000000  }
0xbc: {  	v5 =	vsel vm1, $0x0, v6  }
0xbd: {  	v5 =	vsub.f32 v7, v5;
	_ =	sdelay $0x1  }
0xbe: {  	[tilespmem:v4+s9+$0x0] =	vst.idx.add.f32.msk vm2, v5  }
0xbf: {  	v4 =	vld [tilespmem:s13+$0x10]  }
0xc0: {  	v5 =	vld [tilespmem:s14+$0x10];
	_ =	sdelay $0x3  }
0xc1: {  	v6 =	vperm.xlane v4, v1;
	v7 =	vperm.xlane v4, v2;
	_ =	sdelay $0x1  }
0xc2: {  	vm1 =	veq.s32 v4, v6;
	vm2 =	vne.s32 v4, v7  }
0xc3: {  	v6 =	vsel vm1, $0x80000000, v3;
	(xrf2) =	vadd.scan.msk.f32 $0xffff, v5  }
0xc4: {  	(xrf0) =	vmax.scan.msk.u32 $0xffff, v6;
	_ =	sdelay $0x5  }
0xc5: {  	v5, _, _ =	vpop (xrf0)  }
0xc6: {  	v6 =	vadd.s32 $0x7FFFFFFF, v5  }
0xc7: {  	vm3 =	vgt.s32 v6, $0x0  }
.Ltmp0:
0xc8: {  	vm1 =	vmor vm2, vm0;
	v6 =	vnsel vm3, $0x0, v6;
	v7, _, _ =	vpop (xrf2);
	(pc) =	sbr.rel @p0 .LBB2_2-.Ltmp0, $4  }
0xc9: {  	v6 =	vperm.xlane v7, v6  }
0xca: {  	vm2 =	veq.s32 v5, $0x80000000  }
0xcb: {  	v5 =	vsel vm2, $0x0, v6  }
0xcc: {  	v5 =	vsub.f32 v7, v5  }
0xcd: {  	_ =	sdelay $0x2  }
0xce: {  	s12 =	sadd.s32 $0x1, s12  }
0xcf: {  	p0 =	sne.s32 s12, s6  }
.Ltmp1:
0xd0: {  	[tilespmem:v4+s9+$0x0] =	vst.idx.add.f32.msk vm1, v5;
	(pc) =	sbr.rel @p0 .LBB2_1-.Ltmp1, $4  }
0xd1: {  	[hbm4b:s5+s10] =	stream.strided.scatter [tilespmem:s9], [sflag:$0x1], $0x400, s11, s10, $0x38;
	[tilespmem:$0x2C00] =	vst v63  }
0xd2: {  	_ =	swait.ge [sflag:s7], $0x400  }
0xd3: {  	[sflag:s7] =	ssyncset.done $0x0  }
0xd4: {  	[sflag:s7] =	ssyncadd.s32 $0xFFFFFC00  }
0xd5: {  	_ =	sfence.sel $0x180000  }
0xd6: {  	[bflag:$0x0] =	sbarrier.arrive $0xFFFF  }
0xd7: {  	p0 =	sne.s32 s0, $0x0;
	_ =	strace $0x90000047  }
0xd8: {  	s0 =	sadd.s32 @!p0 $0x100000, s1;
	[bflag:$0x2] =	sbarrier.arrive $0xFFFF  }
0xd9: {  	[sflag:s0] =	ssyncadd.tile.s32 @!p0 $0x1;
	_ =	shalt  }
.Lfunc_end2:
_tile_overlayer_lowered:
.L_overlay_start_2:
0xda: {  	(tag) =	ssettag $0x2  }
0xdb: {  	s0 =	rddreg [dreg:$0x0];
	s2 =	stileid.u32  }
0xdc: {  	s1 =	rddreg [dreg:$0x1];
	p0 =	sne.s32 s2, $0x0  }
0xdd: {  	s3 =	rddreg [dreg:$0x2];
	[bflag:$0x3] =	sbarrier.arrive $0xFFFF;
	s2 =	simm.s32 @!p0 $0x1C01  }
0xde: {  	[timem:s3], [sflag:s2] =	dma.local @!p0 [hbm:s0], s1  }
0xdf: {  	s0 =	simm.s32 @!p0 $0x1  }
0xe0: {  	_ =	swait.ge @!p0 [sflag:s0], s1  }
0xe1: {  	s1 =	ssub.s32 @!p0 $0x0, s1;
	[sflag:s0] =	ssyncset.done @!p0 $0x0  }
0xe2: {  	[sflag:s0] =	ssyncadd.s32 @!p0 s1  }
0xe3: {  	[bflag:$0x3] =	sbarrier.arrive $0xFFFF  }
0xe4: {  	_ =	shalt  }

</sc_bundles>
